<compile_context>
chip_gen: v7x
topology: tpu7x:2x2x1
jax: 0.10.2.dev20260603
libtpu: 0.0.44.dev20260713+nightly
codegen_flags: <defaults>
</compile_context>

<pallas_src>
import functools

import jax
import jax.numpy as jnp
from jax import lax
from jax.experimental import pallas as pl
from jax.experimental.pallas import tpu as pltpu
from jax.experimental.pallas import tpu_sc as plsc

N = 10000
NPAD = 10112
E = 320000
EP = 327680
EROWS = 2560
CPT = EROWS // 32
PCH = CPT // 2
DEG_CPT = EROWS // 16
RPT = NPAD // 16
D = 128
DEGW = 8

_MESH = plsc.VectorSubcoreMesh(core_axis_name="c", subcore_axis_name="s")


@functools.partial(
    pl.kernel,
    mesh=_MESH,
    out_type=jax.ShapeDtypeStruct((2, 16, NPAD), jnp.float32),
    compiler_params=pltpu.CompilerParams(needs_layout_passes=False),
    scratch_types=[
        pltpu.VMEM((DEG_CPT, 128), jnp.int32),
        pltpu.VMEM((NPAD,), jnp.float32),
    ],
)
def _sc_degrees(edges_hbm, out_hbm, idx_v, hist_v):
    c = lax.axis_index("c")
    s = lax.axis_index("s")
    pltpu.sync_copy(edges_hbm.at[c, pl.ds(s * DEG_CPT, DEG_CPT)], idx_v)

    def zbody(i, carry):
        hist_v[pl.ds(i * 16, 16)] = jnp.zeros((16,), jnp.float32)
        return carry

    lax.fori_loop(0, NPAD // 16, zbody, 0)
    ones16 = jnp.ones((16,), jnp.float32)

    def body(j, carry):
        for k in range(8):
            idx16 = idx_v[j, pl.ds(k * 16, 16)]
            plsc.addupdate_scatter(hist_v, [idx16], ones16)
        return carry

    lax.fori_loop(0, DEG_CPT, body, 0)
    pltpu.sync_copy(hist_v, out_hbm.at[c, s])


@functools.partial(
    pl.kernel,
    mesh=_MESH,
    out_type=jax.ShapeDtypeStruct((2, NPAD, D), jnp.float32),
    scratch_types=[
        pltpu.VMEM((PCH, 128), jnp.int32),
        pltpu.VMEM((PCH, 128), jnp.int32),
        pltpu.VMEM((128, D), jnp.float32),
        pltpu.VMEM((128, D), jnp.float32),
        pltpu.VMEM_SHARED((NPAD, D), jnp.float32),
        pltpu.SemaphoreType.DMA,
        pltpu.SemaphoreType.DMA,
    ],
)
def _sc_aggregate(h_hbm, edges_hbm, out_hbm, src_v, dst_v,
                  rows0_v, rows1_v, acc_sh, sem0, sem1):
    c = lax.axis_index("c")
    s = lax.axis_index("s")
    wid = c * 16 + s
    bufs = (rows0_v, rows1_v)
    sems = (sem0, sem1)

    zeros16 = jnp.zeros((16,), jnp.float32)

    def zbody(i, carry):
        for k in range(8):
            rows0_v[i, pl.ds(k * 16, 16)] = zeros16
        return carry

    lax.fori_loop(0, 128, zbody, 0)
    for k in range(4):
        pltpu.sync_copy(rows0_v, acc_sh.at[pl.ds(s * RPT + k * 128, 128)])
    pltpu.sync_copy(rows0_v.at[pl.ds(0, RPT - 512)],
                    acc_sh.at[pl.ds(s * RPT + 512, RPT - 512)])
    plsc.subcore_barrier()

    for p in range(2):
        base = wid * CPT + p * PCH
        pltpu.sync_copy(edges_hbm.at[0, pl.ds(base, PCH)], src_v)
        pltpu.sync_copy(edges_hbm.at[1, pl.ds(base, PCH)], dst_v)

        pltpu.async_copy(h_hbm.at[src_v.at[0]], rows0_v, sem0)
        pltpu.async_copy(h_hbm.at[src_v.at[1]], rows1_v, sem1)

        def body(i, carry):
            for b in range(2):
                chunk = i * 2 + b
                pltpu.make_async_copy(h_hbm.at[src_v.at[chunk]], bufs[b],
                                      sems[b]).wait()
                pltpu.sync_copy(bufs[b], acc_sh.at[dst_v.at[chunk]], add=True)
                nxt = chunk + 2

                @pl.when(nxt < PCH)
                def _():
                    pltpu.async_copy(h_hbm.at[src_v.at[nxt]], bufs[b], sems[b])

            return carry

        lax.fori_loop(0, PCH // 2, body, 0)

    plsc.subcore_barrier()

    pltpu.sync_copy(acc_sh.at[pl.ds(s * RPT, RPT)],
                    out_hbm.at[c, pl.ds(s * RPT, RPT)])


def _norm(deg):
    return jnp.where(deg > 0, lax.rsqrt(jnp.maximum(deg, 1.0)), 0.0)


def _tc_h1_body(hist_ref, x_ref, w1_ref, norms_ref, h1_ref):
    deg = jnp.sum(hist_ref[...], axis=1)
    norms = _norm(deg)
    norms_ref[...] = norms
    ns = norms[0, :N].reshape(N, 1)
    h1_ref[:N] = jnp.dot(x_ref[...] * ns, w1_ref[...],
                         preferred_element_type=jnp.float32)
    h1_ref[N:] = jnp.zeros((NPAD - N, D), jnp.float32)


def _tc2_body(part_ref, norms_ref, b1_ref, w2_ref, h2_ref):
    nd = norms_ref[1].reshape(NPAD, 1)
    ns = norms_ref[0].reshape(NPAD, 1)
    agg = part_ref[0] + part_ref[1]
    h1 = jnp.maximum(agg * nd + b1_ref[...], 0.0)
    h2_ref[...] = jnp.dot(h1 * ns, w2_ref[...],
                          preferred_element_type=jnp.float32)


def _tc3_body(part_ref, norms_ref, b2_ref, wp_ref, bp_ref, seg_ref, cam_ref):
    nd = norms_ref[1].reshape(NPAD, 1)
    agg = part_ref[0] + part_ref[1]
    hidden = jnp.maximum(agg * nd + b2_ref[...], 0.0)[:N]
    wp = wp_ref[...]
    cam_ref[...] = lax.dot_general(wp, hidden, (((1,), (1,)), ((), ())),
                                   preferred_element_type=jnp.float32)
    hg = jnp.sum(hidden, axis=0, keepdims=True) * (1.0 / N)
    seg_ref[...] = lax.dot_general(hg, wp, (((1,), (1,)), ((), ())),
                                   preferred_element_type=jnp.float32) + bp_ref[...]


def _tc_call(body, out_shape, *args):
    return pl.pallas_call(body, out_shape=out_shape)(*args)


def kernel(features, edge_index, is_training, W1, b1, W2, b2, Wp, bp):
    del is_training
    e = edge_index.astype(jnp.int32)
    spread = N + jnp.arange(EP - E, dtype=jnp.int32) % (NPAD - N)
    pad = jnp.stack([spread, spread])
    e = jnp.concatenate([e, pad], axis=1).reshape(2, EROWS, 128)

    hist = _sc_degrees(e)
    norms, h1 = pl.pallas_call(
        _tc_h1_body,
        out_shape=(jax.ShapeDtypeStruct((2, NPAD), jnp.float32),
                   jax.ShapeDtypeStruct((NPAD, D), jnp.float32)),
    )(hist, features, W1)

    part1 = _sc_aggregate(h1, e)
    h2 = _tc_call(_tc2_body, jax.ShapeDtypeStruct((NPAD, D), jnp.float32),
                  part1, norms, b1.reshape(1, D), W2)
    part2 = _sc_aggregate(h2, e)
    seg, cam = pl.pallas_call(
        _tc3_body,
        out_shape=(jax.ShapeDtypeStruct((1, 4), jnp.float32),
                   jax.ShapeDtypeStruct((4, N), jnp.float32)),
    )(part2, norms, b2.reshape(1, D), Wp, bp.reshape(1, 4))
    return seg, cam

# --- scband reference (transcript-rebuilt; emitter-appended) ---
"""Pipeline reference for scband-basic-gcnregressor-23089744183692 (READ-ONLY COPY).

The authoritative reference and input builder live on the scoring server;
editing this copy changes nothing except your own understanding.
"""

import jax, jax.numpy as jnp
import numpy as np

N_NODES = 10000
N_EDGES = 320000
IN_DIM = 128
HIDDEN = 128
N_CLASSES = 4


def _graph_conv(x, src, dst, W, b, n):
    # DGL GraphConv, norm='both': h_v = act( b + sum_{u->v} x_u W / sqrt(d_out(u) d_in(v)) )
    deg_out = jnp.zeros((n,), jnp.float32).at[src].add(1.0)
    deg_in = jnp.zeros((n,), jnp.float32).at[dst].add(1.0)
    norm_src = jnp.where(deg_out > 0, jax.lax.rsqrt(jnp.maximum(deg_out, 1.0)), 0.0)
    norm_dst = jnp.where(deg_in > 0, jax.lax.rsqrt(jnp.maximum(deg_in, 1.0)), 0.0)
    h = x * norm_src[:, None]
    h = h @ W
    agg = jax.ops.segment_sum(jnp.take(h, src, axis=0), dst, num_segments=n)
    out = agg * norm_dst[:, None] + b
    return jax.nn.relu(out)


def setup_inputs(seed: int = 0) -> dict:
    key = jax.random.key(seed)
    ks = jax.random.split(key, 8)
    features = jax.random.normal(ks[0], (N_NODES, IN_DIM), dtype=jnp.float32)
    edge_index = jax.random.randint(ks[1], (2, N_EDGES), 0, N_NODES, dtype=jnp.int32)
    W1 = jax.random.normal(ks[2], (IN_DIM, HIDDEN), dtype=jnp.float32) * (1.0 / np.sqrt(IN_DIM))
    b1 = jnp.zeros((HIDDEN,), jnp.float32)
    W2 = jax.random.normal(ks[3], (HIDDEN, HIDDEN), dtype=jnp.float32) * (1.0 / np.sqrt(HIDDEN))
    b2 = jnp.zeros((HIDDEN,), jnp.float32)
    Wp = jax.random.normal(ks[4], (N_CLASSES, HIDDEN), dtype=jnp.float32) * (1.0 / np.sqrt(HIDDEN))
    bp = jnp.zeros((N_CLASSES,), jnp.float32)
    return {"features": features, "edge_index": edge_index, "is_training": 1,
            "W1": W1, "b1": b1, "W2": W2, "b2": b2, "Wp": Wp, "bp": bp}


def reference(features, edge_index, is_training, W1, b1, W2, b2, Wp, bp):
    src = edge_index[0]
    dst = edge_index[1]
    n = features.shape[0]
    hidden = _graph_conv(features, src, dst, W1, b1, n)
    hidden = _graph_conv(hidden, src, dst, W2, b2, n)
    # hidden.view(N, H, -1).mean(dim=2) with hidden [N, H] is the identity
    gap_output = hidden
    # dgl.mean_nodes over a single graph: mean over all nodes -> [1, H]
    hg = jnp.mean(gap_output, axis=0, keepdims=True)
    seg_output = hg @ Wp.T + bp
    # sum_h Wp[:, h] outer hidden[:, h] == Wp @ hidden.T -> [n_classes, N]
    class_activn_map = Wp @ hidden.T
    # is_training and not branches compute the identical thing
    return (seg_output, class_activn_map)

if __name__ == "__main__":
    import jax
    _d = setup_inputs()
    print(jax.jit(kernel)(*tuple(_d.values())))

</pallas_src>

<mosaic_0001>
#map = affine_map<(d0, d1) -> (0, 0, 0)>
module attributes {stable_mosaic.version = 14 : i64} {
  func.func @_sc_degrees(%arg0: i32, %arg1: i32, %arg2: memref<2x2560x128xi32, #tpu.memory_space<hbm>>, %arg3: memref<2x16x10112xf32, #tpu.memory_space<hbm>>, %arg4: memref<160x128xi32, #tpu.memory_space<vmem>>, %arg5: memref<10112xf32, #tpu.memory_space<vmem>>) attributes {dimension_semantics = [#tpu.dimension_semantics<core_parallel>, #tpu.dimension_semantics<subcore_parallel>], iteration_bounds = array<i64: 2, 16>, scalar_prefetch = 0 : i64, scratch_operands = 2 : i64, tpu.core_type = #tpu.core_type<sc_vector_subcore>, window_params = [{transform_indices = #map}, {transform_indices = #map}]} {
    %mul3A = arith.constant 160 : i32
    %mul3A_0 = arith.muli %arg1, %mul3A : i32
    "tpu.region"() ({
      %run_scoped3A = tpu.sem_alloc : memref<!tpu.dma_semaphore, #tpu.memory_space<semaphore_mem>>
      %dma_start3A = arith.constant 0 : i32
      %dma_start3A_13 = tpu.memref_slice %arg2[%arg0, %mul3A_0, %dma_start3A] : memref<2x2560x128xi32, #tpu.memory_space<hbm>> -> memref<1x160x128xi32, #tpu.memory_space<hbm>>
      %dma_start3A_14 = tpu.memref_squeeze %dma_start3A_13 : memref<1x160x128xi32, #tpu.memory_space<hbm>> -> memref<160x128xi32, #tpu.memory_space<hbm>>
      %dma_start3A_15 = arith.constant 0 : i32
      %dma_start3A_16 = tpu.memref_slice %arg2[%arg0, %mul3A_0, %dma_start3A_15] : memref<2x2560x128xi32, #tpu.memory_space<hbm>> -> memref<1x160x128xi32, #tpu.memory_space<hbm>>
      %dma_start3A_17 = tpu.memref_squeeze %dma_start3A_16 : memref<1x160x128xi32, #tpu.memory_space<hbm>> -> memref<160x128xi32, #tpu.memory_space<hbm>>
      tpu.enqueue_dma source(%dma_start3A_17 : memref<160x128xi32, #tpu.memory_space<hbm>>) target(%arg4 : memref<160x128xi32, #tpu.memory_space<vmem>>) target_semaphore(%run_scoped3A : memref<!tpu.dma_semaphore, #tpu.memory_space<semaphore_mem>>)
      %dma_wait3A = arith.constant 0 : i32
      %dma_wait3A_18 = tpu.memref_slice %arg2[%arg0, %mul3A_0, %dma_wait3A] : memref<2x2560x128xi32, #tpu.memory_space<hbm>> -> memref<1x160x128xi32, #tpu.memory_space<hbm>>
      %dma_wait3A_19 = tpu.memref_squeeze %dma_wait3A_18 : memref<1x160x128xi32, #tpu.memory_space<hbm>> -> memref<160x128xi32, #tpu.memory_space<hbm>>
      %dma_wait3A_20 = arith.constant 0 : i32
      %dma_wait3A_21 = tpu.memref_slice %arg2[%arg0, %mul3A_0, %dma_wait3A_20] : memref<2x2560x128xi32, #tpu.memory_space<hbm>> -> memref<1x160x128xi32, #tpu.memory_space<hbm>>
      %dma_wait3A_22 = tpu.memref_squeeze %dma_wait3A_21 : memref<1x160x128xi32, #tpu.memory_space<hbm>> -> memref<160x128xi32, #tpu.memory_space<hbm>>
      tpu.wait_dma2 semaphore(%run_scoped3A : memref<!tpu.dma_semaphore, #tpu.memory_space<semaphore_mem>>) src(%dma_wait3A_22 : memref<160x128xi32, #tpu.memory_space<hbm>>) dst(%arg4 : memref<160x128xi32, #tpu.memory_space<vmem>>)
      tpu.yield
    }) : () -> ()
    %scan3A = arith.constant 0 : i32
    %scan3A_1 = arith.constant 0 : i32
    %scan3A_2 = arith.constant 632 : i32
    %scan3A_3 = arith.addi %scan3A_1, %scan3A_2 : i32
    %scan3A_4 = arith.constant 1 : i32
    scf.for %scan3A_13 = %scan3A_1 to %scan3A_3 step %scan3A_4  : i32 {
      %broadcast_in_dim3A_14 = arith.constant 0.000000e+00 : f32
      %broadcast_in_dim3A_15 = vector.broadcast %broadcast_in_dim3A_14 : f32 to vector<16xf32>
      %mul3A_16 = arith.constant 16 : i32
      %mul3A_17 = arith.muli %scan3A_13, %mul3A_16 : i32
      %swap3A = arith.index_cast %mul3A_17 : i32 to index
      %swap3A_18 = tpu.vector_load %arg5[%swap3A] {strides = array<i32>} : memref<10112xf32, #tpu.memory_space<vmem>>, vector<16xf32>,
      tpu.vector_store %arg5[%swap3A], %broadcast_in_dim3A_15 {strides = array<i32>} : memref<10112xf32, #tpu.memory_space<vmem>>, vector<16xf32>,
    }
    %scan3A_5 = arith.constant 632 : i32
    %broadcast_in_dim3A = arith.constant 1.000000e+00 : f32
    %broadcast_in_dim3A_6 = vector.broadcast %broadcast_in_dim3A : f32 to vector<16xf32>
    %scan3A_7 = arith.constant 0 : i32
    %scan3A_8 = arith.constant 0 : i32
    %scan3A_9 = arith.constant 160 : i32
    %scan3A_10 = arith.addi %scan3A_8, %scan3A_9 : i32
    %scan3A_11 = arith.constant 1 : i32
    scf.for %scan3A_13 = %scan3A_8 to %scan3A_10 step %scan3A_11  : i32 {
      %get3A = arith.index_cast %scan3A_13 : i32 to index
      %get3A_14 = arith.constant 0 : index
      %get3A_15 = tpu.vector_load %arg4[%get3A, %get3A_14] {strides = array<i32>} : memref<160x128xi32, #tpu.memory_space<vmem>>, vector<16xi32>,
      tpu.vector_store_idx %arg5[%get3A_15], %broadcast_in_dim3A_6 {add = true} : memref<10112xf32, #tpu.memory_space<vmem>>[vector<16xi32>], vector<16xf32>,
      %get3A_16 = arith.index_cast %scan3A_13 : i32 to index
      %get3A_17 = arith.constant 16 : index
      %get3A_18 = tpu.vector_load %arg4[%get3A_16, %get3A_17] {strides = array<i32>} : memref<160x128xi32, #tpu.memory_space<vmem>>, vector<16xi32>,
      tpu.vector_store_idx %arg5[%get3A_18], %broadcast_in_dim3A_6 {add = true} : memref<10112xf32, #tpu.memory_space<vmem>>[vector<16xi32>], vector<16xf32>,
      %get3A_19 = arith.index_cast %scan3A_13 : i32 to index
      %get3A_20 = arith.constant 32 : index
      %get3A_21 = tpu.vector_load %arg4[%get3A_19, %get3A_20] {strides = array<i32>} : memref<160x128xi32, #tpu.memory_space<vmem>>, vector<16xi32>,
      tpu.vector_store_idx %arg5[%get3A_21], %broadcast_in_dim3A_6 {add = true} : memref<10112xf32, #tpu.memory_space<vmem>>[vector<16xi32>], vector<16xf32>,
      %get3A_22 = arith.index_cast %scan3A_13 : i32 to index
      %get3A_23 = arith.constant 48 : index
      %get3A_24 = tpu.vector_load %arg4[%get3A_22, %get3A_23] {strides = array<i32>} : memref<160x128xi32, #tpu.memory_space<vmem>>, vector<16xi32>,
      tpu.vector_store_idx %arg5[%get3A_24], %broadcast_in_dim3A_6 {add = true} : memref<10112xf32, #tpu.memory_space<vmem>>[vector<16xi32>], vector<16xf32>,
      %get3A_25 = arith.index_cast %scan3A_13 : i32 to index
      %get3A_26 = arith.constant 64 : index
      %get3A_27 = tpu.vector_load %arg4[%get3A_25, %get3A_26] {strides = array<i32>} : memref<160x128xi32, #tpu.memory_space<vmem>>, vector<16xi32>,
      tpu.vector_store_idx %arg5[%get3A_27], %broadcast_in_dim3A_6 {add = true} : memref<10112xf32, #tpu.memory_space<vmem>>[vector<16xi32>], vector<16xf32>,
      %get3A_28 = arith.index_cast %scan3A_13 : i32 to index
      %get3A_29 = arith.constant 80 : index
      %get3A_30 = tpu.vector_load %arg4[%get3A_28, %get3A_29] {strides = array<i32>} : memref<160x128xi32, #tpu.memory_space<vmem>>, vector<16xi32>,
      tpu.vector_store_idx %arg5[%get3A_30], %broadcast_in_dim3A_6 {add = true} : memref<10112xf32, #tpu.memory_space<vmem>>[vector<16xi32>], vector<16xf32>,
      %get3A_31 = arith.index_cast %scan3A_13 : i32 to index
      %get3A_32 = arith.constant 96 : index
      %get3A_33 = tpu.vector_load %arg4[%get3A_31, %get3A_32] {strides = array<i32>} : memref<160x128xi32, #tpu.memory_space<vmem>>, vector<16xi32>,
      tpu.vector_store_idx %arg5[%get3A_33], %broadcast_in_dim3A_6 {add = true} : memref<10112xf32, #tpu.memory_space<vmem>>[vector<16xi32>], vector<16xf32>,
      %get3A_34 = arith.index_cast %scan3A_13 : i32 to index
      %get3A_35 = arith.constant 112 : index
      %get3A_36 = tpu.vector_load %arg4[%get3A_34, %get3A_35] {strides = array<i32>} : memref<160x128xi32, #tpu.memory_space<vmem>>, vector<16xi32>,
      tpu.vector_store_idx %arg5[%get3A_36], %broadcast_in_dim3A_6 {add = true} : memref<10112xf32, #tpu.memory_space<vmem>>[vector<16xi32>], vector<16xf32>,
    }
    %scan3A_12 = arith.constant 160 : i32
    "tpu.region"() ({
      %run_scoped3A = tpu.sem_alloc : memref<!tpu.dma_semaphore, #tpu.memory_space<semaphore_mem>>
      %dma_start3A = arith.constant 0 : i32
      %dma_start3A_13 = tpu.memref_slice %arg3[%arg0, %arg1, %dma_start3A] : memref<2x16x10112xf32, #tpu.memory_space<hbm>> -> memref<1x1x10112xf32, #tpu.memory_space<hbm>>
      %dma_start3A_14 = tpu.memref_squeeze %dma_start3A_13 : memref<1x1x10112xf32, #tpu.memory_space<hbm>> -> memref<10112xf32, #tpu.memory_space<hbm>>
      %dma_start3A_15 = arith.constant 0 : i32
      %dma_start3A_16 = tpu.memref_slice %arg3[%arg0, %arg1, %dma_start3A_15] : memref<2x16x10112xf32, #tpu.memory_space<hbm>> -> memref<1x1x10112xf32, #tpu.memory_space<hbm>>
      %dma_start3A_17 = tpu.memref_squeeze %dma_start3A_16 : memref<1x1x10112xf32, #tpu.memory_space<hbm>> -> memref<10112xf32, #tpu.memory_space<hbm>>
      tpu.enqueue_dma source(%arg5 : memref<10112xf32, #tpu.memory_space<vmem>>) target(%dma_start3A_17 : memref<10112xf32, #tpu.memory_space<hbm>>) target_semaphore(%run_scoped3A : memref<!tpu.dma_semaphore, #tpu.memory_space<semaphore_mem>>)
      %dma_wait3A = arith.constant 0 : i32
      %dma_wait3A_18 = tpu.memref_slice %arg3[%arg0, %arg1, %dma_wait3A] : memref<2x16x10112xf32, #tpu.memory_space<hbm>> -> memref<1x1x10112xf32, #tpu.memory_space<hbm>>
      %dma_wait3A_19 = tpu.memref_squeeze %dma_wait3A_18 : memref<1x1x10112xf32, #tpu.memory_space<hbm>> -> memref<10112xf32, #tpu.memory_space<hbm>>
      %dma_wait3A_20 = arith.constant 0 : i32
      %dma_wait3A_21 = tpu.memref_slice %arg3[%arg0, %arg1, %dma_wait3A_20] : memref<2x16x10112xf32, #tpu.memory_space<hbm>> -> memref<1x1x10112xf32, #tpu.memory_space<hbm>>
      %dma_wait3A_22 = tpu.memref_squeeze %dma_wait3A_21 : memref<1x1x10112xf32, #tpu.memory_space<hbm>> -> memref<10112xf32, #tpu.memory_space<hbm>>
      tpu.wait_dma2 semaphore(%run_scoped3A : memref<!tpu.dma_semaphore, #tpu.memory_space<semaphore_mem>>) src(%arg5 : memref<10112xf32, #tpu.memory_space<vmem>>) dst(%dma_wait3A_22 : memref<10112xf32, #tpu.memory_space<hbm>>)
      tpu.yield
    }) : () -> ()
    return
  }
}

#map = affine_map<(d0, d1) -> (0, 0)>
#map1 = affine_map<(d0, d1) -> (0, 0, 0)>
module attributes {stable_mosaic.version = 14 : i64} {
  func.func @_sc_aggregate(%arg0: i32, %arg1: i32, %arg2: memref<10112x128xf32, #tpu.memory_space<hbm>>, %arg3: memref<2x2560x128xi32, #tpu.memory_space<hbm>>, %arg4: memref<2x10112x128xf32, #tpu.memory_space<hbm>>, %arg5: memref<40x128xi32, #tpu.memory_space<vmem>>, %arg6: memref<40x128xi32, #tpu.memory_space<vmem>>, %arg7: memref<128x128xf32, #tpu.memory_space<vmem>>, %arg8: memref<128x128xf32, #tpu.memory_space<vmem>>, %arg9: memref<10112x128xf32, #tpu.memory_space<vmem_shared>>, %arg10: memref<!tpu.dma_semaphore, #tpu.memory_space<semaphore_mem>>, %arg11: memref<!tpu.dma_semaphore, #tpu.memory_space<semaphore_mem>>) attributes {dimension_semantics = [#tpu.dimension_semantics<core_parallel>, #tpu.dimension_semantics<subcore_parallel>], iteration_bounds = array<i64: 2, 16>, scalar_prefetch = 0 : i64, scratch_operands = 7 : i64, tpu.core_type = #tpu.core_type<sc_vector_subcore>, window_params = [{transform_indices = #map}, {transform_indices = #map1}, {transform_indices = #map1}]} {
    %mul3A = arith.constant 16 : i32
    %mul3A_0 = arith.muli %arg0, %mul3A : i32
    %add3A = arith.addi %mul3A_0, %arg1 : i32
    %broadcast_in_dim3A = arith.constant 0.000000e+00 : f32
    %broadcast_in_dim3A_1 = vector.broadcast %broadcast_in_dim3A : f32 to vector<16xf32>
    %scan3A = arith.constant 0 : i32
    %scan3A_2 = arith.constant 0 : i32
    %scan3A_3 = arith.constant 128 : i32
    %scan3A_4 = arith.addi %scan3A_2, %scan3A_3 : i32
    %scan3A_5 = arith.constant 1 : i32
    scf.for %scan3A_82 = %scan3A_2 to %scan3A_4 step %scan3A_5  : i32 {
      %swap3A = arith.index_cast %scan3A_82 : i32 to index
      %swap3A_83 = arith.constant 0 : index
      %swap3A_84 = tpu.vector_load %arg7[%swap3A, %swap3A_83] {strides = array<i32>} : memref<128x128xf32, #tpu.memory_space<vmem>>, vector<1x16xf32>,
      %swap3A_85 = vector.shape_cast %swap3A_84 : vector<1x16xf32> to vector<16xf32>
      %swap3A_86 = vector.shape_cast %broadcast_in_dim3A_1 : vector<16xf32> to vector<1x16xf32>
      tpu.vector_store %arg7[%swap3A, %swap3A_83], %swap3A_86 {strides = array<i32>} : memref<128x128xf32, #tpu.memory_space<vmem>>, vector<1x16xf32>,
      %swap3A_87 = arith.index_cast %scan3A_82 : i32 to index
      %swap3A_88 = arith.constant 16 : index
      %swap3A_89 = tpu.vector_load %arg7[%swap3A_87, %swap3A_88] {strides = array<i32>} : memref<128x128xf32, #tpu.memory_space<vmem>>, vector<1x16xf32>,
      %swap3A_90 = vector.shape_cast %swap3A_89 : vector<1x16xf32> to vector<16xf32>
      %swap3A_91 = vector.shape_cast %broadcast_in_dim3A_1 : vector<16xf32> to vector<1x16xf32>
      tpu.vector_store %arg7[%swap3A_87, %swap3A_88], %swap3A_91 {strides = array<i32>} : memref<128x128xf32, #tpu.memory_space<vmem>>, vector<1x16xf32>,
      %swap3A_92 = arith.index_cast %scan3A_82 : i32 to index
      %swap3A_93 = arith.constant 32 : index
      %swap3A_94 = tpu.vector_load %arg7[%swap3A_92, %swap3A_93] {strides = array<i32>} : memref<128x128xf32, #tpu.memory_space<vmem>>, vector<1x16xf32>,
      %swap3A_95 = vector.shape_cast %swap3A_94 : vector<1x16xf32> to vector<16xf32>
      %swap3A_96 = vector.shape_cast %broadcast_in_dim3A_1 : vector<16xf32> to vector<1x16xf32>
      tpu.vector_store %arg7[%swap3A_92, %swap3A_93], %swap3A_96 {strides = array<i32>} : memref<128x128xf32, #tpu.memory_space<vmem>>, vector<1x16xf32>,
      %swap3A_97 = arith.index_cast %scan3A_82 : i32 to index
      %swap3A_98 = arith.constant 48 : index
      %swap3A_99 = tpu.vector_load %arg7[%swap3A_97, %swap3A_98] {strides = array<i32>} : memref<128x128xf32, #tpu.memory_space<vmem>>, vector<1x16xf32>,
      %swap3A_100 = vector.shape_cast %swap3A_99 : vector<1x16xf32> to vector<16xf32>
      %swap3A_101 = vector.shape_cast %broadcast_in_dim3A_1 : vector<16xf32> to vector<1x16xf32>
      tpu.vector_store %arg7[%swap3A_97, %swap3A_98], %swap3A_101 {strides = array<i32>} : memref<128x128xf32, #tpu.memory_space<vmem>>, vector<1x16xf32>,
      %swap3A_102 = arith.index_cast %scan3A_82 : i32 to index
      %swap3A_103 = arith.constant 64 : index
      %swap3A_104 = tpu.vector_load %arg7[%swap3A_102, %swap3A_103] {strides = array<i32>} : memref<128x128xf32, #tpu.memory_space<vmem>>, vector<1x16xf32>,
      %swap3A_105 = vector.shape_cast %swap3A_104 : vector<1x16xf32> to vector<16xf32>
      %swap3A_106 = vector.shape_cast %broadcast_in_dim3A_1 : vector<16xf32> to vector<1x16xf32>
      tpu.vector_store %arg7[%swap3A_102, %swap3A_103], %swap3A_106 {strides = array<i32>} : memref<128x128xf32, #tpu.memory_space<vmem>>, vector<1x16xf32>,
      %swap3A_107 = arith.index_cast %scan3A_82 : i32 to index
      %swap3A_108 = arith.constant 80 : index
      %swap3A_109 = tpu.vector_load %arg7[%swap3A_107, %swap3A_108] {strides = array<i32>} : memref<128x128xf32, #tpu.memory_space<vmem>>, vector<1x16xf32>,
      %swap3A_110 = vector.shape_cast %swap3A_109 : vector<1x16xf32> to vector<16xf32>
      %swap3A_111 = vector.shape_cast %broadcast_in_dim3A_1 : vector<16xf32> to vector<1x16xf32>
      tpu.vector_store %arg7[%swap3A_107, %swap3A_108], %swap3A_111 {strides = array<i32>} : memref<128x128xf32, #tpu.memory_space<vmem>>, vector<1x16xf32>,
      %swap3A_112 = arith.index_cast %scan3A_82 : i32 to index
      %swap3A_113 = arith.constant 96 : index
      %swap3A_114 = tpu.vector_load %arg7[%swap3A_112, %swap3A_113] {strides = array<i32>} : memref<128x128xf32, #tpu.memory_space<vmem>>, vector<1x16xf32>,
      %swap3A_115 = vector.shape_cast %swap3A_114 : vector<1x16xf32> to vector<16xf32>
      %swap3A_116 = vector.shape_cast %broadcast_in_dim3A_1 : vector<16xf32> to vector<1x16xf32>
      tpu.vector_store %arg7[%swap3A_112, %swap3A_113], %swap3A_116 {strides = array<i32>} : memref<128x128xf32, #tpu.memory_space<vmem>>, vector<1x16xf32>,
      %swap3A_117 = arith.index_cast %scan3A_82 : i32 to index
      %swap3A_118 = arith.constant 112 : index
      %swap3A_119 = tpu.vector_load %arg7[%swap3A_117, %swap3A_118] {strides = array<i32>} : memref<128x128xf32, #tpu.memory_space<vmem>>, vector<1x16xf32>,
      %swap3A_120 = vector.shape_cast %swap3A_119 : vector<1x16xf32> to vector<16xf32>
      %swap3A_121 = vector.shape_cast %broadcast_in_dim3A_1 : vector<16xf32> to vector<1x16xf32>
      tpu.vector_store %arg7[%swap3A_117, %swap3A_118], %swap3A_121 {strides = array<i32>} : memref<128x128xf32, #tpu.memory_space<vmem>>, vector<1x16xf32>,
    }
    %scan3A_6 = arith.constant 128 : i32
    %mul3A_7 = arith.constant 632 : i32
    %mul3A_8 = arith.muli %arg1, %mul3A_7 : i32
    %add3A_9 = arith.constant 0 : i32
    %add3A_10 = arith.addi %mul3A_8, %add3A_9 : i32
    "tpu.region"() ({
      %run_scoped3A_82 = tpu.sem_alloc : memref<!tpu.dma_semaphore, #tpu.memory_space<semaphore_mem>>
      %dma_start3A_83 = arith.constant 0 : i32
      %dma_start3A_84 = tpu.memref_slice %arg9[%add3A_10, %dma_start3A_83] : memref<10112x128xf32, #tpu.memory_space<vmem_shared>> -> memref<128x128xf32, #tpu.memory_space<vmem_shared>>
      %dma_start3A_85 = arith.constant 0 : i32
      %dma_start3A_86 = tpu.memref_slice %arg9[%add3A_10, %dma_start3A_85] : memref<10112x128xf32, #tpu.memory_space<vmem_shared>> -> memref<128x128xf32, #tpu.memory_space<vmem_shared>>
      tpu.enqueue_dma source(%arg7 : memref<128x128xf32, #tpu.memory_space<vmem>>) target(%dma_start3A_86 : memref<128x128xf32, #tpu.memory_space<vmem_shared>>) target_semaphore(%run_scoped3A_82 : memref<!tpu.dma_semaphore, #tpu.memory_space<semaphore_mem>>)
      %dma_wait3A = arith.constant 0 : i32
      %dma_wait3A_87 = tpu.memref_slice %arg9[%add3A_10, %dma_wait3A] : memref<10112x128xf32, #tpu.memory_space<vmem_shared>> -> memref<128x128xf32, #tpu.memory_space<vmem_shared>>
      %dma_wait3A_88 = arith.constant 0 : i32
      %dma_wait3A_89 = tpu.memref_slice %arg9[%add3A_10, %dma_wait3A_88] : memref<10112x128xf32, #tpu.memory_space<vmem_shared>> -> memref<128x128xf32, #tpu.memory_space<vmem_shared>>
      tpu.wait_dma2 semaphore(%run_scoped3A_82 : memref<!tpu.dma_semaphore, #tpu.memory_space<semaphore_mem>>) src(%arg7 : memref<128x128xf32, #tpu.memory_space<vmem>>) dst(%dma_wait3A_89 : memref<128x128xf32, #tpu.memory_space<vmem_shared>>)
      tpu.yield
    }) : () -> ()
    %mul3A_11 = arith.constant 632 : i32
    %mul3A_12 = arith.muli %arg1, %mul3A_11 : i32
    %add3A_13 = arith.constant 128 : i32
    %add3A_14 = arith.addi %mul3A_12, %add3A_13 : i32
    "tpu.region"() ({
      %run_scoped3A_82 = tpu.sem_alloc : memref<!tpu.dma_semaphore, #tpu.memory_space<semaphore_mem>>
      %dma_start3A_83 = arith.constant 0 : i32
      %dma_start3A_84 = tpu.memref_slice %arg9[%add3A_14, %dma_start3A_83] : memref<10112x128xf32, #tpu.memory_space<vmem_shared>> -> memref<128x128xf32, #tpu.memory_space<vmem_shared>>
      %dma_start3A_85 = arith.constant 0 : i32
      %dma_start3A_86 = tpu.memref_slice %arg9[%add3A_14, %dma_start3A_85] : memref<10112x128xf32, #tpu.memory_space<vmem_shared>> -> memref<128x128xf32, #tpu.memory_space<vmem_shared>>
      tpu.enqueue_dma source(%arg7 : memref<128x128xf32, #tpu.memory_space<vmem>>) target(%dma_start3A_86 : memref<128x128xf32, #tpu.memory_space<vmem_shared>>) target_semaphore(%run_scoped3A_82 : memref<!tpu.dma_semaphore, #tpu.memory_space<semaphore_mem>>)
      %dma_wait3A = arith.constant 0 : i32
      %dma_wait3A_87 = tpu.memref_slice %arg9[%add3A_14, %dma_wait3A] : memref<10112x128xf32, #tpu.memory_space<vmem_shared>> -> memref<128x128xf32, #tpu.memory_space<vmem_shared>>
      %dma_wait3A_88 = arith.constant 0 : i32
      %dma_wait3A_89 = tpu.memref_slice %arg9[%add3A_14, %dma_wait3A_88] : memref<10112x128xf32, #tpu.memory_space<vmem_shared>> -> memref<128x128xf32, #tpu.memory_space<vmem_shared>>
      tpu.wait_dma2 semaphore(%run_scoped3A_82 : memref<!tpu.dma_semaphore, #tpu.memory_space<semaphore_mem>>) src(%arg7 : memref<128x128xf32, #tpu.memory_space<vmem>>) dst(%dma_wait3A_89 : memref<128x128xf32, #tpu.memory_space<vmem_shared>>)
      tpu.yield
    }) : () -> ()
    %mul3A_15 = arith.constant 632 : i32
    %mul3A_16 = arith.muli %arg1, %mul3A_15 : i32
    %add3A_17 = arith.constant 256 : i32
    %add3A_18 = arith.addi %mul3A_16, %add3A_17 : i32
    "tpu.region"() ({
      %run_scoped3A_82 = tpu.sem_alloc : memref<!tpu.dma_semaphore, #tpu.memory_space<semaphore_mem>>
      %dma_start3A_83 = arith.constant 0 : i32
      %dma_start3A_84 = tpu.memref_slice %arg9[%add3A_18, %dma_start3A_83] : memref<10112x128xf32, #tpu.memory_space<vmem_shared>> -> memref<128x128xf32, #tpu.memory_space<vmem_shared>>
      %dma_start3A_85 = arith.constant 0 : i32
      %dma_start3A_86 = tpu.memref_slice %arg9[%add3A_18, %dma_start3A_85] : memref<10112x128xf32, #tpu.memory_space<vmem_shared>> -> memref<128x128xf32, #tpu.memory_space<vmem_shared>>
      tpu.enqueue_dma source(%arg7 : memref<128x128xf32, #tpu.memory_space<vmem>>) target(%dma_start3A_86 : memref<128x128xf32, #tpu.memory_space<vmem_shared>>) target_semaphore(%run_scoped3A_82 : memref<!tpu.dma_semaphore, #tpu.memory_space<semaphore_mem>>)
      %dma_wait3A = arith.constant 0 : i32
      %dma_wait3A_87 = tpu.memref_slice %arg9[%add3A_18, %dma_wait3A] : memref<10112x128xf32, #tpu.memory_space<vmem_shared>> -> memref<128x128xf32, #tpu.memory_space<vmem_shared>>
      %dma_wait3A_88 = arith.constant 0 : i32
      %dma_wait3A_89 = tpu.memref_slice %arg9[%add3A_18, %dma_wait3A_88] : memref<10112x128xf32, #tpu.memory_space<vmem_shared>> -> memref<128x128xf32, #tpu.memory_space<vmem_shared>>
      tpu.wait_dma2 semaphore(%run_scoped3A_82 : memref<!tpu.dma_semaphore, #tpu.memory_space<semaphore_mem>>) src(%arg7 : memref<128x128xf32, #tpu.memory_space<vmem>>) dst(%dma_wait3A_89 : memref<128x128xf32, #tpu.memory_space<vmem_shared>>)
      tpu.yield
    }) : () -> ()
    %mul3A_19 = arith.constant 632 : i32
    %mul3A_20 = arith.muli %arg1, %mul3A_19 : i32
    %add3A_21 = arith.constant 384 : i32
    %add3A_22 = arith.addi %mul3A_20, %add3A_21 : i32
    "tpu.region"() ({
      %run_scoped3A_82 = tpu.sem_alloc : memref<!tpu.dma_semaphore, #tpu.memory_space<semaphore_mem>>
      %dma_start3A_83 = arith.constant 0 : i32
      %dma_start3A_84 = tpu.memref_slice %arg9[%add3A_22, %dma_start3A_83] : memref<10112x128xf32, #tpu.memory_space<vmem_shared>> -> memref<128x128xf32, #tpu.memory_space<vmem_shared>>
      %dma_start3A_85 = arith.constant 0 : i32
      %dma_start3A_86 = tpu.memref_slice %arg9[%add3A_22, %dma_start3A_85] : memref<10112x128xf32, #tpu.memory_space<vmem_shared>> -> memref<128x128xf32, #tpu.memory_space<vmem_shared>>
      tpu.enqueue_dma source(%arg7 : memref<128x128xf32, #tpu.memory_space<vmem>>) target(%dma_start3A_86 : memref<128x128xf32, #tpu.memory_space<vmem_shared>>) target_semaphore(%run_scoped3A_82 : memref<!tpu.dma_semaphore, #tpu.memory_space<semaphore_mem>>)
      %dma_wait3A = arith.constant 0 : i32
      %dma_wait3A_87 = tpu.memref_slice %arg9[%add3A_22, %dma_wait3A] : memref<10112x128xf32, #tpu.memory_space<vmem_shared>> -> memref<128x128xf32, #tpu.memory_space<vmem_shared>>
      %dma_wait3A_88 = arith.constant 0 : i32
      %dma_wait3A_89 = tpu.memref_slice %arg9[%add3A_22, %dma_wait3A_88] : memref<10112x128xf32, #tpu.memory_space<vmem_shared>> -> memref<128x128xf32, #tpu.memory_space<vmem_shared>>
      tpu.wait_dma2 semaphore(%run_scoped3A_82 : memref<!tpu.dma_semaphore, #tpu.memory_space<semaphore_mem>>) src(%arg7 : memref<128x128xf32, #tpu.memory_space<vmem>>) dst(%dma_wait3A_89 : memref<128x128xf32, #tpu.memory_space<vmem_shared>>)
      tpu.yield
    }) : () -> ()
    %mul3A_23 = arith.constant 632 : i32
    %mul3A_24 = arith.muli %arg1, %mul3A_23 : i32
    %add3A_25 = arith.constant 512 : i32
    %add3A_26 = arith.addi %mul3A_24, %add3A_25 : i32
    "tpu.region"() ({
      %run_scoped3A_82 = tpu.sem_alloc : memref<!tpu.dma_semaphore, #tpu.memory_space<semaphore_mem>>
      %dma_start3A_83 = arith.constant 0 : i32
      %dma_start3A_84 = arith.constant 0 : i32
      %dma_start3A_85 = tpu.memref_slice %arg7[%dma_start3A_83, %dma_start3A_84] : memref<128x128xf32, #tpu.memory_space<vmem>> -> memref<120x128xf32, #tpu.memory_space<vmem>>
      %dma_start3A_86 = arith.constant 0 : i32
      %dma_start3A_87 = tpu.memref_slice %arg9[%add3A_26, %dma_start3A_86] : memref<10112x128xf32, #tpu.memory_space<vmem_shared>> -> memref<120x128xf32, #tpu.memory_space<vmem_shared>>
      %dma_start3A_88 = arith.constant 0 : i32
      %dma_start3A_89 = tpu.memref_slice %arg9[%add3A_26, %dma_start3A_88] : memref<10112x128xf32, #tpu.memory_space<vmem_shared>> -> memref<120x128xf32, #tpu.memory_space<vmem_shared>>
      %dma_start3A_90 = arith.constant 0 : i32
      %dma_start3A_91 = arith.constant 0 : i32
      %dma_start3A_92 = tpu.memref_slice %arg7[%dma_start3A_90, %dma_start3A_91] : memref<128x128xf32, #tpu.memory_space<vmem>> -> memref<120x128xf32, #tpu.memory_space<vmem>>
      tpu.enqueue_dma source(%dma_start3A_92 : memref<120x128xf32, #tpu.memory_space<vmem>>) target(%dma_start3A_89 : memref<120x128xf32, #tpu.memory_space<vmem_shared>>) target_semaphore(%run_scoped3A_82 : memref<!tpu.dma_semaphore, #tpu.memory_space<semaphore_mem>>)
      %dma_wait3A = arith.constant 0 : i32
      %dma_wait3A_93 = arith.constant 0 : i32
      %dma_wait3A_94 = tpu.memref_slice %arg7[%dma_wait3A, %dma_wait3A_93] : memref<128x128xf32, #tpu.memory_space<vmem>> -> memref<120x128xf32, #tpu.memory_space<vmem>>
      %dma_wait3A_95 = arith.constant 0 : i32
      %dma_wait3A_96 = tpu.memref_slice %arg9[%add3A_26, %dma_wait3A_95] : memref<10112x128xf32, #tpu.memory_space<vmem_shared>> -> memref<120x128xf32, #tpu.memory_space<vmem_shared>>
      %dma_wait3A_97 = arith.constant 0 : i32
      %dma_wait3A_98 = tpu.memref_slice %arg9[%add3A_26, %dma_wait3A_97] : memref<10112x128xf32, #tpu.memory_space<vmem_shared>> -> memref<120x128xf32, #tpu.memory_space<vmem_shared>>
      %dma_wait3A_99 = arith.constant 0 : i32
      %dma_wait3A_100 = arith.constant 0 : i32
      %dma_wait3A_101 = tpu.memref_slice %arg7[%dma_wait3A_99, %dma_wait3A_100] : memref<128x128xf32, #tpu.memory_space<vmem>> -> memref<120x128xf32, #tpu.memory_space<vmem>>
      tpu.wait_dma2 semaphore(%run_scoped3A_82 : memref<!tpu.dma_semaphore, #tpu.memory_space<semaphore_mem>>) src(%dma_wait3A_101 : memref<120x128xf32, #tpu.memory_space<vmem>>) dst(%dma_wait3A_98 : memref<120x128xf32, #tpu.memory_space<vmem_shared>>)
      tpu.yield
    }) : () -> ()
    %barrier3A = arith.constant 0 : index
    tpu.barrier barrier_id(%barrier3A)
    %mul3A_27 = arith.constant 80 : i32
    %mul3A_28 = arith.muli %add3A, %mul3A_27 : i32
    %add3A_29 = arith.constant 0 : i32
    %add3A_30 = arith.addi %mul3A_28, %add3A_29 : i32
    %run_scoped3A = arith.constant 0 : i32
    "tpu.region"() ({
      %run_scoped3A_82 = tpu.sem_alloc : memref<!tpu.dma_semaphore, #tpu.memory_space<semaphore_mem>>
      %dma_start3A_83 = arith.constant 0 : i32
      %dma_start3A_84 = tpu.memref_slice %arg3[%run_scoped3A, %add3A_30, %dma_start3A_83] : memref<2x2560x128xi32, #tpu.memory_space<hbm>> -> memref<1x40x128xi32, #tpu.memory_space<hbm>>
      %dma_start3A_85 = tpu.memref_squeeze %dma_start3A_84 : memref<1x40x128xi32, #tpu.memory_space<hbm>> -> memref<40x128xi32, #tpu.memory_space<hbm>>
      %dma_start3A_86 = arith.constant 0 : i32
      %dma_start3A_87 = tpu.memref_slice %arg3[%run_scoped3A, %add3A_30, %dma_start3A_86] : memref<2x2560x128xi32, #tpu.memory_space<hbm>> -> memref<1x40x128xi32, #tpu.memory_space<hbm>>
      %dma_start3A_88 = tpu.memref_squeeze %dma_start3A_87 : memref<1x40x128xi32, #tpu.memory_space<hbm>> -> memref<40x128xi32, #tpu.memory_space<hbm>>
      tpu.enqueue_dma source(%dma_start3A_88 : memref<40x128xi32, #tpu.memory_space<hbm>>) target(%arg5 : memref<40x128xi32, #tpu.memory_space<vmem>>) target_semaphore(%run_scoped3A_82 : memref<!tpu.dma_semaphore, #tpu.memory_space<semaphore_mem>>)
      %dma_wait3A = arith.constant 0 : i32
      %dma_wait3A_89 = tpu.memref_slice %arg3[%run_scoped3A, %add3A_30, %dma_wait3A] : memref<2x2560x128xi32, #tpu.memory_space<hbm>> -> memref<1x40x128xi32, #tpu.memory_space<hbm>>
      %dma_wait3A_90 = tpu.memref_squeeze %dma_wait3A_89 : memref<1x40x128xi32, #tpu.memory_space<hbm>> -> memref<40x128xi32, #tpu.memory_space<hbm>>
      %dma_wait3A_91 = arith.constant 0 : i32
      %dma_wait3A_92 = tpu.memref_slice %arg3[%run_scoped3A, %add3A_30, %dma_wait3A_91] : memref<2x2560x128xi32, #tpu.memory_space<hbm>> -> memref<1x40x128xi32, #tpu.memory_space<hbm>>
      %dma_wait3A_93 = tpu.memref_squeeze %dma_wait3A_92 : memref<1x40x128xi32, #tpu.memory_space<hbm>> -> memref<40x128xi32, #tpu.memory_space<hbm>>
      tpu.wait_dma2 semaphore(%run_scoped3A_82 : memref<!tpu.dma_semaphore, #tpu.memory_space<semaphore_mem>>) src(%dma_wait3A_93 : memref<40x128xi32, #tpu.memory_space<hbm>>) dst(%arg5 : memref<40x128xi32, #tpu.memory_space<vmem>>)
      tpu.yield
    }) : () -> ()
    %run_scoped3A_31 = arith.constant 1 : i32
    "tpu.region"() ({
      %run_scoped3A_82 = tpu.sem_alloc : memref<!tpu.dma_semaphore, #tpu.memory_space<semaphore_mem>>
      %dma_start3A_83 = arith.constant 0 : i32
      %dma_start3A_84 = tpu.memref_slice %arg3[%run_scoped3A_31, %add3A_30, %dma_start3A_83] : memref<2x2560x128xi32, #tpu.memory_space<hbm>> -> memref<1x40x128xi32, #tpu.memory_space<hbm>>
      %dma_start3A_85 = tpu.memref_squeeze %dma_start3A_84 : memref<1x40x128xi32, #tpu.memory_space<hbm>> -> memref<40x128xi32, #tpu.memory_space<hbm>>
      %dma_start3A_86 = arith.constant 0 : i32
      %dma_start3A_87 = tpu.memref_slice %arg3[%run_scoped3A_31, %add3A_30, %dma_start3A_86] : memref<2x2560x128xi32, #tpu.memory_space<hbm>> -> memref<1x40x128xi32, #tpu.memory_space<hbm>>
      %dma_start3A_88 = tpu.memref_squeeze %dma_start3A_87 : memref<1x40x128xi32, #tpu.memory_space<hbm>> -> memref<40x128xi32, #tpu.memory_space<hbm>>
      tpu.enqueue_dma source(%dma_start3A_88 : memref<40x128xi32, #tpu.memory_space<hbm>>) target(%arg6 : memref<40x128xi32, #tpu.memory_space<vmem>>) target_semaphore(%run_scoped3A_82 : memref<!tpu.dma_semaphore, #tpu.memory_space<semaphore_mem>>)
      %dma_wait3A = arith.constant 0 : i32
      %dma_wait3A_89 = tpu.memref_slice %arg3[%run_scoped3A_31, %add3A_30, %dma_wait3A] : memref<2x2560x128xi32, #tpu.memory_space<hbm>> -> memref<1x40x128xi32, #tpu.memory_space<hbm>>
      %dma_wait3A_90 = tpu.memref_squeeze %dma_wait3A_89 : memref<1x40x128xi32, #tpu.memory_space<hbm>> -> memref<40x128xi32, #tpu.memory_space<hbm>>
      %dma_wait3A_91 = arith.constant 0 : i32
      %dma_wait3A_92 = tpu.memref_slice %arg3[%run_scoped3A_31, %add3A_30, %dma_wait3A_91] : memref<2x2560x128xi32, #tpu.memory_space<hbm>> -> memref<1x40x128xi32, #tpu.memory_space<hbm>>
      %dma_wait3A_93 = tpu.memref_squeeze %dma_wait3A_92 : memref<1x40x128xi32, #tpu.memory_space<hbm>> -> memref<40x128xi32, #tpu.memory_space<hbm>>
      tpu.wait_dma2 semaphore(%run_scoped3A_82 : memref<!tpu.dma_semaphore, #tpu.memory_space<semaphore_mem>>) src(%dma_wait3A_93 : memref<40x128xi32, #tpu.memory_space<hbm>>) dst(%arg6 : memref<40x128xi32, #tpu.memory_space<vmem>>)
      tpu.yield
    }) : () -> ()
    %dma_start3A = arith.constant 0 : i32
    %dma_start3A_32 = arith.constant 0 : i32
    %dma_start3A_33 = tpu.memref_slice %arg5[%dma_start3A, %dma_start3A_32] : memref<40x128xi32, #tpu.memory_space<vmem>> -> memref<1x128xi32, #tpu.memory_space<vmem>>
    %dma_start3A_34 = tpu.memref_squeeze %dma_start3A_33 : memref<1x128xi32, #tpu.memory_space<vmem>> -> memref<128xi32, #tpu.memory_space<vmem>>
    %dma_start3A_35 = arith.constant 0 : i32
    %dma_start3A_36 = arith.constant 0 : i32
    %dma_start3A_37 = tpu.memref_slice %arg2[%dma_start3A_35, %dma_start3A_36] : memref<10112x128xf32, #tpu.memory_space<hbm>> -> memref<10112x128xf32, #tpu.memory_space<hbm>>
    tpu.enqueue_indirect_dma source(%dma_start3A_37 : memref<10112x128xf32, #tpu.memory_space<hbm>>) target(%arg7 : memref<128x128xf32, #tpu.memory_space<vmem>>) offsets(%dma_start3A_34 : memref<128xi32, #tpu.memory_space<vmem>>) semaphore(%arg10 : memref<!tpu.dma_semaphore, #tpu.memory_space<semaphore_mem>>)
    %dma_start3A_38 = arith.constant 1 : i32
    %dma_start3A_39 = arith.constant 0 : i32
    %dma_start3A_40 = tpu.memref_slice %arg5[%dma_start3A_38, %dma_start3A_39] : memref<40x128xi32, #tpu.memory_space<vmem>> -> memref<1x128xi32, #tpu.memory_space<vmem>>
    %dma_start3A_41 = tpu.memref_squeeze %dma_start3A_40 : memref<1x128xi32, #tpu.memory_space<vmem>> -> memref<128xi32, #tpu.memory_space<vmem>>
    %dma_start3A_42 = arith.constant 0 : i32
    %dma_start3A_43 = arith.constant 0 : i32
    %dma_start3A_44 = tpu.memref_slice %arg2[%dma_start3A_42, %dma_start3A_43] : memref<10112x128xf32, #tpu.memory_space<hbm>> -> memref<10112x128xf32, #tpu.memory_space<hbm>>
    tpu.enqueue_indirect_dma source(%dma_start3A_44 : memref<10112x128xf32, #tpu.memory_space<hbm>>) target(%arg8 : memref<128x128xf32, #tpu.memory_space<vmem>>) offsets(%dma_start3A_41 : memref<128xi32, #tpu.memory_space<vmem>>) semaphore(%arg11 : memref<!tpu.dma_semaphore, #tpu.memory_space<semaphore_mem>>)
    %scan3A_45 = arith.constant 0 : i32
    %scan3A_46 = arith.constant 0 : i32
    %scan3A_47 = arith.constant 20 : i32
    %scan3A_48 = arith.addi %scan3A_46, %scan3A_47 : i32
    %scan3A_49 = arith.constant 1 : i32
    scf.for %scan3A_82 = %scan3A_46 to %scan3A_48 step %scan3A_49  : i32 {
      %mul3A_83 = arith.constant 2 : i32
      %mul3A_84 = arith.muli %scan3A_82, %mul3A_83 : i32
      %add3A_85 = arith.constant 0 : i32
      %add3A_86 = arith.addi %mul3A_84, %add3A_85 : i32
      %dma_wait3A = arith.constant 0 : i32
      %dma_wait3A_87 = tpu.memref_slice %arg5[%add3A_86, %dma_wait3A] : memref<40x128xi32, #tpu.memory_space<vmem>> -> memref<1x128xi32, #tpu.memory_space<vmem>>
      %dma_wait3A_88 = tpu.memref_squeeze %dma_wait3A_87 : memref<1x128xi32, #tpu.memory_space<vmem>> -> memref<128xi32, #tpu.memory_space<vmem>>
      %dma_wait3A_89 = arith.constant 0 : i32
      %dma_wait3A_90 = arith.constant 0 : i32
      %dma_wait3A_91 = tpu.memref_slice %arg2[%dma_wait3A_89, %dma_wait3A_90] : memref<10112x128xf32, #tpu.memory_space<hbm>> -> memref<10112x128xf32, #tpu.memory_space<hbm>>
      tpu.wait_indirect_dma semaphore(%arg10 : memref<!tpu.dma_semaphore, #tpu.memory_space<semaphore_mem>>) src(%dma_wait3A_91 : memref<10112x128xf32, #tpu.memory_space<hbm>>) dst(%arg7 : memref<128x128xf32, #tpu.memory_space<vmem>>)
      "tpu.region"() ({
        %run_scoped3A_113 = tpu.sem_alloc : memref<!tpu.dma_semaphore, #tpu.memory_space<semaphore_mem>>
        %dma_start3A_114 = arith.constant 0 : i32
        %dma_start3A_115 = tpu.memref_slice %arg6[%add3A_86, %dma_start3A_114] : memref<40x128xi32, #tpu.memory_space<vmem>> -> memref<1x128xi32, #tpu.memory_space<vmem>>
        %dma_start3A_116 = tpu.memref_squeeze %dma_start3A_115 : memref<1x128xi32, #tpu.memory_space<vmem>> -> memref<128xi32, #tpu.memory_space<vmem>>
        %dma_start3A_117 = arith.constant 0 : i32
        %dma_start3A_118 = arith.constant 0 : i32
        %dma_start3A_119 = tpu.memref_slice %arg9[%dma_start3A_117, %dma_start3A_118] : memref<10112x128xf32, #tpu.memory_space<vmem_shared>> -> memref<10112x128xf32, #tpu.memory_space<vmem_shared>>
        tpu.enqueue_indirect_dma source(%arg7 : memref<128x128xf32, #tpu.memory_space<vmem>>) target(%dma_start3A_119 : memref<10112x128xf32, #tpu.memory_space<vmem_shared>>) offsets(%dma_start3A_116 : memref<128xi32, #tpu.memory_space<vmem>>) semaphore(%run_scoped3A_113 : memref<!tpu.dma_semaphore, #tpu.memory_space<semaphore_mem>>) {add = true}
        %dma_wait3A_120 = arith.constant 0 : i32
        %dma_wait3A_121 = tpu.memref_slice %arg6[%add3A_86, %dma_wait3A_120] : memref<40x128xi32, #tpu.memory_space<vmem>> -> memref<1x128xi32, #tpu.memory_space<vmem>>
        %dma_wait3A_122 = tpu.memref_squeeze %dma_wait3A_121 : memref<1x128xi32, #tpu.memory_space<vmem>> -> memref<128xi32, #tpu.memory_space<vmem>>
        %dma_wait3A_123 = arith.constant 0 : i32
        %dma_wait3A_124 = arith.constant 0 : i32
        %dma_wait3A_125 = tpu.memref_slice %arg9[%dma_wait3A_123, %dma_wait3A_124] : memref<10112x128xf32, #tpu.memory_space<vmem_shared>> -> memref<10112x128xf32, #tpu.memory_space<vmem_shared>>
        tpu.wait_indirect_dma semaphore(%run_scoped3A_113 : memref<!tpu.dma_semaphore, #tpu.memory_space<semaphore_mem>>) src(%arg7 : memref<128x128xf32, #tpu.memory_space<vmem>>) dst(%dma_wait3A_125 : memref<10112x128xf32, #tpu.memory_space<vmem_shared>>)
        tpu.yield
      }) : () -> ()
      %add3A_92 = arith.constant 2 : i32
      %add3A_93 = arith.addi %add3A_86, %add3A_92 : i32
      %lt3A = arith.constant 40 : i32
      %lt3A_94 = arith.cmpi slt, %add3A_93, %lt3A : i32
      %convert_element_type3A = arith.extui %lt3A_94 : i1 to i32
      %cond3A = arith.constant 0 : i32
      %cond3A_95 = arith.cmpi ne, %convert_element_type3A, %cond3A : i32
      scf.if %cond3A_95 {
        %dma_start3A_113 = arith.constant 0 : i32
        %dma_start3A_114 = tpu.memref_slice %arg5[%add3A_93, %dma_start3A_113] : memref<40x128xi32, #tpu.memory_space<vmem>> -> memref<1x128xi32, #tpu.memory_space<vmem>>
        %dma_start3A_115 = tpu.memref_squeeze %dma_start3A_114 : memref<1x128xi32, #tpu.memory_space<vmem>> -> memref<128xi32, #tpu.memory_space<vmem>>
        %dma_start3A_116 = arith.constant 0 : i32
        %dma_start3A_117 = arith.constant 0 : i32
        %dma_start3A_118 = tpu.memref_slice %arg2[%dma_start3A_116, %dma_start3A_117] : memref<10112x128xf32, #tpu.memory_space<hbm>> -> memref<10112x128xf32, #tpu.memory_space<hbm>>
        tpu.enqueue_indirect_dma source(%dma_start3A_118 : memref<10112x128xf32, #tpu.memory_space<hbm>>) target(%arg7 : memref<128x128xf32, #tpu.memory_space<vmem>>) offsets(%dma_start3A_115 : memref<128xi32, #tpu.memory_space<vmem>>) semaphore(%arg10 : memref<!tpu.dma_semaphore, #tpu.memory_space<semaphore_mem>>)
      } else {
      }
      %mul3A_96 = arith.constant 2 : i32
      %mul3A_97 = arith.muli %scan3A_82, %mul3A_96 : i32
      %add3A_98 = arith.constant 1 : i32
      %add3A_99 = arith.addi %mul3A_97, %add3A_98 : i32
      %dma_wait3A_100 = arith.constant 0 : i32
      %dma_wait3A_101 = tpu.memref_slice %arg5[%add3A_99, %dma_wait3A_100] : memref<40x128xi32, #tpu.memory_space<vmem>> -> memref<1x128xi32, #tpu.memory_space<vmem>>
      %dma_wait3A_102 = tpu.memref_squeeze %dma_wait3A_101 : memref<1x128xi32, #tpu.memory_space<vmem>> -> memref<128xi32, #tpu.memory_space<vmem>>
      %dma_wait3A_103 = arith.constant 0 : i32
      %dma_wait3A_104 = arith.constant 0 : i32
      %dma_wait3A_105 = tpu.memref_slice %arg2[%dma_wait3A_103, %dma_wait3A_104] : memref<10112x128xf32, #tpu.memory_space<hbm>> -> memref<10112x128xf32, #tpu.memory_space<hbm>>
      tpu.wait_indirect_dma semaphore(%arg11 : memref<!tpu.dma_semaphore, #tpu.memory_space<semaphore_mem>>) src(%dma_wait3A_105 : memref<10112x128xf32, #tpu.memory_space<hbm>>) dst(%arg8 : memref<128x128xf32, #tpu.memory_space<vmem>>)
      "tpu.region"() ({
        %run_scoped3A_113 = tpu.sem_alloc : memref<!tpu.dma_semaphore, #tpu.memory_space<semaphore_mem>>
        %dma_start3A_114 = arith.constant 0 : i32
        %dma_start3A_115 = tpu.memref_slice %arg6[%add3A_99, %dma_start3A_114] : memref<40x128xi32, #tpu.memory_space<vmem>> -> memref<1x128xi32, #tpu.memory_space<vmem>>
        %dma_start3A_116 = tpu.memref_squeeze %dma_start3A_115 : memref<1x128xi32, #tpu.memory_space<vmem>> -> memref<128xi32, #tpu.memory_space<vmem>>
        %dma_start3A_117 = arith.constant 0 : i32
        %dma_start3A_118 = arith.constant 0 : i32
        %dma_start3A_119 = tpu.memref_slice %arg9[%dma_start3A_117, %dma_start3A_118] : memref<10112x128xf32, #tpu.memory_space<vmem_shared>> -> memref<10112x128xf32, #tpu.memory_space<vmem_shared>>
        tpu.enqueue_indirect_dma source(%arg8 : memref<128x128xf32, #tpu.memory_space<vmem>>) target(%dma_start3A_119 : memref<10112x128xf32, #tpu.memory_space<vmem_shared>>) offsets(%dma_start3A_116 : memref<128xi32, #tpu.memory_space<vmem>>) semaphore(%run_scoped3A_113 : memref<!tpu.dma_semaphore, #tpu.memory_space<semaphore_mem>>) {add = true}
        %dma_wait3A_120 = arith.constant 0 : i32
        %dma_wait3A_121 = tpu.memref_slice %arg6[%add3A_99, %dma_wait3A_120] : memref<40x128xi32, #tpu.memory_space<vmem>> -> memref<1x128xi32, #tpu.memory_space<vmem>>
        %dma_wait3A_122 = tpu.memref_squeeze %dma_wait3A_121 : memref<1x128xi32, #tpu.memory_space<vmem>> -> memref<128xi32, #tpu.memory_space<vmem>>
        %dma_wait3A_123 = arith.constant 0 : i32
        %dma_wait3A_124 = arith.constant 0 : i32
        %dma_wait3A_125 = tpu.memref_slice %arg9[%dma_wait3A_123, %dma_wait3A_124] : memref<10112x128xf32, #tpu.memory_space<vmem_shared>> -> memref<10112x128xf32, #tpu.memory_space<vmem_shared>>
        tpu.wait_indirect_dma semaphore(%run_scoped3A_113 : memref<!tpu.dma_semaphore, #tpu.memory_space<semaphore_mem>>) src(%arg8 : memref<128x128xf32, #tpu.memory_space<vmem>>) dst(%dma_wait3A_125 : memref<10112x128xf32, #tpu.memory_space<vmem_shared>>)
        tpu.yield
      }) : () -> ()
      %add3A_106 = arith.constant 2 : i32
      %add3A_107 = arith.addi %add3A_99, %add3A_106 : i32
      %lt3A_108 = arith.constant 40 : i32
      %lt3A_109 = arith.cmpi slt, %add3A_107, %lt3A_108 : i32
      %convert_element_type3A_110 = arith.extui %lt3A_109 : i1 to i32
      %cond3A_111 = arith.constant 0 : i32
      %cond3A_112 = arith.cmpi ne, %convert_element_type3A_110, %cond3A_111 : i32
      scf.if %cond3A_112 {
        %dma_start3A_113 = arith.constant 0 : i32
        %dma_start3A_114 = tpu.memref_slice %arg5[%add3A_107, %dma_start3A_113] : memref<40x128xi32, #tpu.memory_space<vmem>> -> memref<1x128xi32, #tpu.memory_space<vmem>>
        %dma_start3A_115 = tpu.memref_squeeze %dma_start3A_114 : memref<1x128xi32, #tpu.memory_space<vmem>> -> memref<128xi32, #tpu.memory_space<vmem>>
        %dma_start3A_116 = arith.constant 0 : i32
        %dma_start3A_117 = arith.constant 0 : i32
        %dma_start3A_118 = tpu.memref_slice %arg2[%dma_start3A_116, %dma_start3A_117] : memref<10112x128xf32, #tpu.memory_space<hbm>> -> memref<10112x128xf32, #tpu.memory_space<hbm>>
        tpu.enqueue_indirect_dma source(%dma_start3A_118 : memref<10112x128xf32, #tpu.memory_space<hbm>>) target(%arg8 : memref<128x128xf32, #tpu.memory_space<vmem>>) offsets(%dma_start3A_115 : memref<128xi32, #tpu.memory_space<vmem>>) semaphore(%arg11 : memref<!tpu.dma_semaphore, #tpu.memory_space<semaphore_mem>>)
      } else {
      }
    }
    %scan3A_50 = arith.constant 20 : i32
    %mul3A_51 = arith.constant 80 : i32
    %mul3A_52 = arith.muli %add3A, %mul3A_51 : i32
    %add3A_53 = arith.constant 40 : i32
    %add3A_54 = arith.addi %mul3A_52, %add3A_53 : i32
    %run_scoped3A_55 = arith.constant 0 : i32
    "tpu.region"() ({
      %run_scoped3A_82 = tpu.sem_alloc : memref<!tpu.dma_semaphore, #tpu.memory_space<semaphore_mem>>
      %dma_start3A_83 = arith.constant 0 : i32
      %dma_start3A_84 = tpu.memref_slice %arg3[%run_scoped3A_55, %add3A_54, %dma_start3A_83] : memref<2x2560x128xi32, #tpu.memory_space<hbm>> -> memref<1x40x128xi32, #tpu.memory_space<hbm>>
      %dma_start3A_85 = tpu.memref_squeeze %dma_start3A_84 : memref<1x40x128xi32, #tpu.memory_space<hbm>> -> memref<40x128xi32, #tpu.memory_space<hbm>>
      %dma_start3A_86 = arith.constant 0 : i32
      %dma_start3A_87 = tpu.memref_slice %arg3[%run_scoped3A_55, %add3A_54, %dma_start3A_86] : memref<2x2560x128xi32, #tpu.memory_space<hbm>> -> memref<1x40x128xi32, #tpu.memory_space<hbm>>
      %dma_start3A_88 = tpu.memref_squeeze %dma_start3A_87 : memref<1x40x128xi32, #tpu.memory_space<hbm>> -> memref<40x128xi32, #tpu.memory_space<hbm>>
      tpu.enqueue_dma source(%dma_start3A_88 : memref<40x128xi32, #tpu.memory_space<hbm>>) target(%arg5 : memref<40x128xi32, #tpu.memory_space<vmem>>) target_semaphore(%run_scoped3A_82 : memref<!tpu.dma_semaphore, #tpu.memory_space<semaphore_mem>>)
      %dma_wait3A = arith.constant 0 : i32
      %dma_wait3A_89 = tpu.memref_slice %arg3[%run_scoped3A_55, %add3A_54, %dma_wait3A] : memref<2x2560x128xi32, #tpu.memory_space<hbm>> -> memref<1x40x128xi32, #tpu.memory_space<hbm>>
      %dma_wait3A_90 = tpu.memref_squeeze %dma_wait3A_89 : memref<1x40x128xi32, #tpu.memory_space<hbm>> -> memref<40x128xi32, #tpu.memory_space<hbm>>
      %dma_wait3A_91 = arith.constant 0 : i32
      %dma_wait3A_92 = tpu.memref_slice %arg3[%run_scoped3A_55, %add3A_54, %dma_wait3A_91] : memref<2x2560x128xi32, #tpu.memory_space<hbm>> -> memref<1x40x128xi32, #tpu.memory_space<hbm>>
      %dma_wait3A_93 = tpu.memref_squeeze %dma_wait3A_92 : memref<1x40x128xi32, #tpu.memory_space<hbm>> -> memref<40x128xi32, #tpu.memory_space<hbm>>
      tpu.wait_dma2 semaphore(%run_scoped3A_82 : memref<!tpu.dma_semaphore, #tpu.memory_space<semaphore_mem>>) src(%dma_wait3A_93 : memref<40x128xi32, #tpu.memory_space<hbm>>) dst(%arg5 : memref<40x128xi32, #tpu.memory_space<vmem>>)
      tpu.yield
    }) : () -> ()
    %run_scoped3A_56 = arith.constant 1 : i32
    "tpu.region"() ({
      %run_scoped3A_82 = tpu.sem_alloc : memref<!tpu.dma_semaphore, #tpu.memory_space<semaphore_mem>>
      %dma_start3A_83 = arith.constant 0 : i32
      %dma_start3A_84 = tpu.memref_slice %arg3[%run_scoped3A_56, %add3A_54, %dma_start3A_83] : memref<2x2560x128xi32, #tpu.memory_space<hbm>> -> memref<1x40x128xi32, #tpu.memory_space<hbm>>
      %dma_start3A_85 = tpu.memref_squeeze %dma_start3A_84 : memref<1x40x128xi32, #tpu.memory_space<hbm>> -> memref<40x128xi32, #tpu.memory_space<hbm>>
      %dma_start3A_86 = arith.constant 0 : i32
      %dma_start3A_87 = tpu.memref_slice %arg3[%run_scoped3A_56, %add3A_54, %dma_start3A_86] : memref<2x2560x128xi32, #tpu.memory_space<hbm>> -> memref<1x40x128xi32, #tpu.memory_space<hbm>>
      %dma_start3A_88 = tpu.memref_squeeze %dma_start3A_87 : memref<1x40x128xi32, #tpu.memory_space<hbm>> -> memref<40x128xi32, #tpu.memory_space<hbm>>
      tpu.enqueue_dma source(%dma_start3A_88 : memref<40x128xi32, #tpu.memory_space<hbm>>) target(%arg6 : memref<40x128xi32, #tpu.memory_space<vmem>>) target_semaphore(%run_scoped3A_82 : memref<!tpu.dma_semaphore, #tpu.memory_space<semaphore_mem>>)
      %dma_wait3A = arith.constant 0 : i32
      %dma_wait3A_89 = tpu.memref_slice %arg3[%run_scoped3A_56, %add3A_54, %dma_wait3A] : memref<2x2560x128xi32, #tpu.memory_space<hbm>> -> memref<1x40x128xi32, #tpu.memory_space<hbm>>
      %dma_wait3A_90 = tpu.memref_squeeze %dma_wait3A_89 : memref<1x40x128xi32, #tpu.memory_space<hbm>> -> memref<40x128xi32, #tpu.memory_space<hbm>>
      %dma_wait3A_91 = arith.constant 0 : i32
      %dma_wait3A_92 = tpu.memref_slice %arg3[%run_scoped3A_56, %add3A_54, %dma_wait3A_91] : memref<2x2560x128xi32, #tpu.memory_space<hbm>> -> memref<1x40x128xi32, #tpu.memory_space<hbm>>
      %dma_wait3A_93 = tpu.memref_squeeze %dma_wait3A_92 : memref<1x40x128xi32, #tpu.memory_space<hbm>> -> memref<40x128xi32, #tpu.memory_space<hbm>>
      tpu.wait_dma2 semaphore(%run_scoped3A_82 : memref<!tpu.dma_semaphore, #tpu.memory_space<semaphore_mem>>) src(%dma_wait3A_93 : memref<40x128xi32, #tpu.memory_space<hbm>>) dst(%arg6 : memref<40x128xi32, #tpu.memory_space<vmem>>)
      tpu.yield
    }) : () -> ()
    %dma_start3A_57 = arith.constant 0 : i32
    %dma_start3A_58 = arith.constant 0 : i32
    %dma_start3A_59 = tpu.memref_slice %arg5[%dma_start3A_57, %dma_start3A_58] : memref<40x128xi32, #tpu.memory_space<vmem>> -> memref<1x128xi32, #tpu.memory_space<vmem>>
    %dma_start3A_60 = tpu.memref_squeeze %dma_start3A_59 : memref<1x128xi32, #tpu.memory_space<vmem>> -> memref<128xi32, #tpu.memory_space<vmem>>
    %dma_start3A_61 = arith.constant 0 : i32
    %dma_start3A_62 = arith.constant 0 : i32
    %dma_start3A_63 = tpu.memref_slice %arg2[%dma_start3A_61, %dma_start3A_62] : memref<10112x128xf32, #tpu.memory_space<hbm>> -> memref<10112x128xf32, #tpu.memory_space<hbm>>
    tpu.enqueue_indirect_dma source(%dma_start3A_63 : memref<10112x128xf32, #tpu.memory_space<hbm>>) target(%arg7 : memref<128x128xf32, #tpu.memory_space<vmem>>) offsets(%dma_start3A_60 : memref<128xi32, #tpu.memory_space<vmem>>) semaphore(%arg10 : memref<!tpu.dma_semaphore, #tpu.memory_space<semaphore_mem>>)
    %dma_start3A_64 = arith.constant 1 : i32
    %dma_start3A_65 = arith.constant 0 : i32
    %dma_start3A_66 = tpu.memref_slice %arg5[%dma_start3A_64, %dma_start3A_65] : memref<40x128xi32, #tpu.memory_space<vmem>> -> memref<1x128xi32, #tpu.memory_space<vmem>>
    %dma_start3A_67 = tpu.memref_squeeze %dma_start3A_66 : memref<1x128xi32, #tpu.memory_space<vmem>> -> memref<128xi32, #tpu.memory_space<vmem>>
    %dma_start3A_68 = arith.constant 0 : i32
    %dma_start3A_69 = arith.constant 0 : i32
    %dma_start3A_70 = tpu.memref_slice %arg2[%dma_start3A_68, %dma_start3A_69] : memref<10112x128xf32, #tpu.memory_space<hbm>> -> memref<10112x128xf32, #tpu.memory_space<hbm>>
    tpu.enqueue_indirect_dma source(%dma_start3A_70 : memref<10112x128xf32, #tpu.memory_space<hbm>>) target(%arg8 : memref<128x128xf32, #tpu.memory_space<vmem>>) offsets(%dma_start3A_67 : memref<128xi32, #tpu.memory_space<vmem>>) semaphore(%arg11 : memref<!tpu.dma_semaphore, #tpu.memory_space<semaphore_mem>>)
    %scan3A_71 = arith.constant 0 : i32
    %scan3A_72 = arith.constant 0 : i32
    %scan3A_73 = arith.constant 20 : i32
    %scan3A_74 = arith.addi %scan3A_72, %scan3A_73 : i32
    %scan3A_75 = arith.constant 1 : i32
    scf.for %scan3A_82 = %scan3A_72 to %scan3A_74 step %scan3A_75  : i32 {
      %mul3A_83 = arith.constant 2 : i32
      %mul3A_84 = arith.muli %scan3A_82, %mul3A_83 : i32
      %add3A_85 = arith.constant 0 : i32
      %add3A_86 = arith.addi %mul3A_84, %add3A_85 : i32
      %dma_wait3A = arith.constant 0 : i32
      %dma_wait3A_87 = tpu.memref_slice %arg5[%add3A_86, %dma_wait3A] : memref<40x128xi32, #tpu.memory_space<vmem>> -> memref<1x128xi32, #tpu.memory_space<vmem>>
      %dma_wait3A_88 = tpu.memref_squeeze %dma_wait3A_87 : memref<1x128xi32, #tpu.memory_space<vmem>> -> memref<128xi32, #tpu.memory_space<vmem>>
      %dma_wait3A_89 = arith.constant 0 : i32
      %dma_wait3A_90 = arith.constant 0 : i32
      %dma_wait3A_91 = tpu.memref_slice %arg2[%dma_wait3A_89, %dma_wait3A_90] : memref<10112x128xf32, #tpu.memory_space<hbm>> -> memref<10112x128xf32, #tpu.memory_space<hbm>>
      tpu.wait_indirect_dma semaphore(%arg10 : memref<!tpu.dma_semaphore, #tpu.memory_space<semaphore_mem>>) src(%dma_wait3A_91 : memref<10112x128xf32, #tpu.memory_space<hbm>>) dst(%arg7 : memref<128x128xf32, #tpu.memory_space<vmem>>)
      "tpu.region"() ({
        %run_scoped3A_113 = tpu.sem_alloc : memref<!tpu.dma_semaphore, #tpu.memory_space<semaphore_mem>>
        %dma_start3A_114 = arith.constant 0 : i32
        %dma_start3A_115 = tpu.memref_slice %arg6[%add3A_86, %dma_start3A_114] : memref<40x128xi32, #tpu.memory_space<vmem>> -> memref<1x128xi32, #tpu.memory_space<vmem>>
        %dma_start3A_116 = tpu.memref_squeeze %dma_start3A_115 : memref<1x128xi32, #tpu.memory_space<vmem>> -> memref<128xi32, #tpu.memory_space<vmem>>
        %dma_start3A_117 = arith.constant 0 : i32
        %dma_start3A_118 = arith.constant 0 : i32
        %dma_start3A_119 = tpu.memref_slice %arg9[%dma_start3A_117, %dma_start3A_118] : memref<10112x128xf32, #tpu.memory_space<vmem_shared>> -> memref<10112x128xf32, #tpu.memory_space<vmem_shared>>
        tpu.enqueue_indirect_dma source(%arg7 : memref<128x128xf32, #tpu.memory_space<vmem>>) target(%dma_start3A_119 : memref<10112x128xf32, #tpu.memory_space<vmem_shared>>) offsets(%dma_start3A_116 : memref<128xi32, #tpu.memory_space<vmem>>) semaphore(%run_scoped3A_113 : memref<!tpu.dma_semaphore, #tpu.memory_space<semaphore_mem>>) {add = true}
        %dma_wait3A_120 = arith.constant 0 : i32
        %dma_wait3A_121 = tpu.memref_slice %arg6[%add3A_86, %dma_wait3A_120] : memref<40x128xi32, #tpu.memory_space<vmem>> -> memref<1x128xi32, #tpu.memory_space<vmem>>
        %dma_wait3A_122 = tpu.memref_squeeze %dma_wait3A_121 : memref<1x128xi32, #tpu.memory_space<vmem>> -> memref<128xi32, #tpu.memory_space<vmem>>
        %dma_wait3A_123 = arith.constant 0 : i32
        %dma_wait3A_124 = arith.constant 0 : i32
        %dma_wait3A_125 = tpu.memref_slice %arg9[%dma_wait3A_123, %dma_wait3A_124] : memref<10112x128xf32, #tpu.memory_space<vmem_shared>> -> memref<10112x128xf32, #tpu.memory_space<vmem_shared>>
        tpu.wait_indirect_dma semaphore(%run_scoped3A_113 : memref<!tpu.dma_semaphore, #tpu.memory_space<semaphore_mem>>) src(%arg7 : memref<128x128xf32, #tpu.memory_space<vmem>>) dst(%dma_wait3A_125 : memref<10112x128xf32, #tpu.memory_space<vmem_shared>>)
        tpu.yield
      }) : () -> ()
      %add3A_92 = arith.constant 2 : i32
      %add3A_93 = arith.addi %add3A_86, %add3A_92 : i32
      %lt3A = arith.constant 40 : i32
      %lt3A_94 = arith.cmpi slt, %add3A_93, %lt3A : i32
      %convert_element_type3A = arith.extui %lt3A_94 : i1 to i32
      %cond3A = arith.constant 0 : i32
      %cond3A_95 = arith.cmpi ne, %convert_element_type3A, %cond3A : i32
      scf.if %cond3A_95 {
        %dma_start3A_113 = arith.constant 0 : i32
        %dma_start3A_114 = tpu.memref_slice %arg5[%add3A_93, %dma_start3A_113] : memref<40x128xi32, #tpu.memory_space<vmem>> -> memref<1x128xi32, #tpu.memory_space<vmem>>
        %dma_start3A_115 = tpu.memref_squeeze %dma_start3A_114 : memref<1x128xi32, #tpu.memory_space<vmem>> -> memref<128xi32, #tpu.memory_space<vmem>>
        %dma_start3A_116 = arith.constant 0 : i32
        %dma_start3A_117 = arith.constant 0 : i32
        %dma_start3A_118 = tpu.memref_slice %arg2[%dma_start3A_116, %dma_start3A_117] : memref<10112x128xf32, #tpu.memory_space<hbm>> -> memref<10112x128xf32, #tpu.memory_space<hbm>>
        tpu.enqueue_indirect_dma source(%dma_start3A_118 : memref<10112x128xf32, #tpu.memory_space<hbm>>) target(%arg7 : memref<128x128xf32, #tpu.memory_space<vmem>>) offsets(%dma_start3A_115 : memref<128xi32, #tpu.memory_space<vmem>>) semaphore(%arg10 : memref<!tpu.dma_semaphore, #tpu.memory_space<semaphore_mem>>)
      } else {
      }
      %mul3A_96 = arith.constant 2 : i32
      %mul3A_97 = arith.muli %scan3A_82, %mul3A_96 : i32
      %add3A_98 = arith.constant 1 : i32
      %add3A_99 = arith.addi %mul3A_97, %add3A_98 : i32
      %dma_wait3A_100 = arith.constant 0 : i32
      %dma_wait3A_101 = tpu.memref_slice %arg5[%add3A_99, %dma_wait3A_100] : memref<40x128xi32, #tpu.memory_space<vmem>> -> memref<1x128xi32, #tpu.memory_space<vmem>>
      %dma_wait3A_102 = tpu.memref_squeeze %dma_wait3A_101 : memref<1x128xi32, #tpu.memory_space<vmem>> -> memref<128xi32, #tpu.memory_space<vmem>>
      %dma_wait3A_103 = arith.constant 0 : i32
      %dma_wait3A_104 = arith.constant 0 : i32
      %dma_wait3A_105 = tpu.memref_slice %arg2[%dma_wait3A_103, %dma_wait3A_104] : memref<10112x128xf32, #tpu.memory_space<hbm>> -> memref<10112x128xf32, #tpu.memory_space<hbm>>
      tpu.wait_indirect_dma semaphore(%arg11 : memref<!tpu.dma_semaphore, #tpu.memory_space<semaphore_mem>>) src(%dma_wait3A_105 : memref<10112x128xf32, #tpu.memory_space<hbm>>) dst(%arg8 : memref<128x128xf32, #tpu.memory_space<vmem>>)
      "tpu.region"() ({
        %run_scoped3A_113 = tpu.sem_alloc : memref<!tpu.dma_semaphore, #tpu.memory_space<semaphore_mem>>
        %dma_start3A_114 = arith.constant 0 : i32
        %dma_start3A_115 = tpu.memref_slice %arg6[%add3A_99, %dma_start3A_114] : memref<40x128xi32, #tpu.memory_space<vmem>> -> memref<1x128xi32, #tpu.memory_space<vmem>>
        %dma_start3A_116 = tpu.memref_squeeze %dma_start3A_115 : memref<1x128xi32, #tpu.memory_space<vmem>> -> memref<128xi32, #tpu.memory_space<vmem>>
        %dma_start3A_117 = arith.constant 0 : i32
        %dma_start3A_118 = arith.constant 0 : i32
        %dma_start3A_119 = tpu.memref_slice %arg9[%dma_start3A_117, %dma_start3A_118] : memref<10112x128xf32, #tpu.memory_space<vmem_shared>> -> memref<10112x128xf32, #tpu.memory_space<vmem_shared>>
        tpu.enqueue_indirect_dma source(%arg8 : memref<128x128xf32, #tpu.memory_space<vmem>>) target(%dma_start3A_119 : memref<10112x128xf32, #tpu.memory_space<vmem_shared>>) offsets(%dma_start3A_116 : memref<128xi32, #tpu.memory_space<vmem>>) semaphore(%run_scoped3A_113 : memref<!tpu.dma_semaphore, #tpu.memory_space<semaphore_mem>>) {add = true}
        %dma_wait3A_120 = arith.constant 0 : i32
        %dma_wait3A_121 = tpu.memref_slice %arg6[%add3A_99, %dma_wait3A_120] : memref<40x128xi32, #tpu.memory_space<vmem>> -> memref<1x128xi32, #tpu.memory_space<vmem>>
        %dma_wait3A_122 = tpu.memref_squeeze %dma_wait3A_121 : memref<1x128xi32, #tpu.memory_space<vmem>> -> memref<128xi32, #tpu.memory_space<vmem>>
        %dma_wait3A_123 = arith.constant 0 : i32
        %dma_wait3A_124 = arith.constant 0 : i32
        %dma_wait3A_125 = tpu.memref_slice %arg9[%dma_wait3A_123, %dma_wait3A_124] : memref<10112x128xf32, #tpu.memory_space<vmem_shared>> -> memref<10112x128xf32, #tpu.memory_space<vmem_shared>>
        tpu.wait_indirect_dma semaphore(%run_scoped3A_113 : memref<!tpu.dma_semaphore, #tpu.memory_space<semaphore_mem>>) src(%arg8 : memref<128x128xf32, #tpu.memory_space<vmem>>) dst(%dma_wait3A_125 : memref<10112x128xf32, #tpu.memory_space<vmem_shared>>)
        tpu.yield
      }) : () -> ()
      %add3A_106 = arith.constant 2 : i32
      %add3A_107 = arith.addi %add3A_99, %add3A_106 : i32
      %lt3A_108 = arith.constant 40 : i32
      %lt3A_109 = arith.cmpi slt, %add3A_107, %lt3A_108 : i32
      %convert_element_type3A_110 = arith.extui %lt3A_109 : i1 to i32
      %cond3A_111 = arith.constant 0 : i32
      %cond3A_112 = arith.cmpi ne, %convert_element_type3A_110, %cond3A_111 : i32
      scf.if %cond3A_112 {
        %dma_start3A_113 = arith.constant 0 : i32
        %dma_start3A_114 = tpu.memref_slice %arg5[%add3A_107, %dma_start3A_113] : memref<40x128xi32, #tpu.memory_space<vmem>> -> memref<1x128xi32, #tpu.memory_space<vmem>>
        %dma_start3A_115 = tpu.memref_squeeze %dma_start3A_114 : memref<1x128xi32, #tpu.memory_space<vmem>> -> memref<128xi32, #tpu.memory_space<vmem>>
        %dma_start3A_116 = arith.constant 0 : i32
        %dma_start3A_117 = arith.constant 0 : i32
        %dma_start3A_118 = tpu.memref_slice %arg2[%dma_start3A_116, %dma_start3A_117] : memref<10112x128xf32, #tpu.memory_space<hbm>> -> memref<10112x128xf32, #tpu.memory_space<hbm>>
        tpu.enqueue_indirect_dma source(%dma_start3A_118 : memref<10112x128xf32, #tpu.memory_space<hbm>>) target(%arg8 : memref<128x128xf32, #tpu.memory_space<vmem>>) offsets(%dma_start3A_115 : memref<128xi32, #tpu.memory_space<vmem>>) semaphore(%arg11 : memref<!tpu.dma_semaphore, #tpu.memory_space<semaphore_mem>>)
      } else {
      }
    }
    %scan3A_76 = arith.constant 20 : i32
    %barrier3A_77 = arith.constant 0 : index
    tpu.barrier barrier_id(%barrier3A_77)
    %mul3A_78 = arith.constant 632 : i32
    %mul3A_79 = arith.muli %arg1, %mul3A_78 : i32
    %mul3A_80 = arith.constant 632 : i32
    %mul3A_81 = arith.muli %arg1, %mul3A_80 : i32
    "tpu.region"() ({
      %run_scoped3A_82 = tpu.sem_alloc : memref<!tpu.dma_semaphore, #tpu.memory_space<semaphore_mem>>
      %dma_start3A_83 = arith.constant 0 : i32
      %dma_start3A_84 = tpu.memref_slice %arg4[%arg0, %mul3A_81, %dma_start3A_83] : memref<2x10112x128xf32, #tpu.memory_space<hbm>> -> memref<1x632x128xf32, #tpu.memory_space<hbm>>
      %dma_start3A_85 = tpu.memref_squeeze %dma_start3A_84 : memref<1x632x128xf32, #tpu.memory_space<hbm>> -> memref<632x128xf32, #tpu.memory_space<hbm>>
      %dma_start3A_86 = arith.constant 0 : i32
      %dma_start3A_87 = tpu.memref_slice %arg9[%mul3A_79, %dma_start3A_86] : memref<10112x128xf32, #tpu.memory_space<vmem_shared>> -> memref<632x128xf32, #tpu.memory_space<vmem_shared>>
      tpu.enqueue_dma source(%dma_start3A_87 : memref<632x128xf32, #tpu.memory_space<vmem_shared>>) target(%dma_start3A_85 : memref<632x128xf32, #tpu.memory_space<hbm>>) target_semaphore(%run_scoped3A_82 : memref<!tpu.dma_semaphore, #tpu.memory_space<semaphore_mem>>)
      %dma_wait3A = arith.constant 0 : i32
      %dma_wait3A_88 = tpu.memref_slice %arg4[%arg0, %mul3A_81, %dma_wait3A] : memref<2x10112x128xf32, #tpu.memory_space<hbm>> -> memref<1x632x128xf32, #tpu.memory_space<hbm>>
      %dma_wait3A_89 = tpu.memref_squeeze %dma_wait3A_88 : memref<1x632x128xf32, #tpu.memory_space<hbm>> -> memref<632x128xf32, #tpu.memory_space<hbm>>
      %dma_wait3A_90 = arith.constant 0 : i32
      %dma_wait3A_91 = tpu.memref_slice %arg9[%mul3A_79, %dma_wait3A_90] : memref<10112x128xf32, #tpu.memory_space<vmem_shared>> -> memref<632x128xf32, #tpu.memory_space<vmem_shared>>
      tpu.wait_dma2 semaphore(%run_scoped3A_82 : memref<!tpu.dma_semaphore, #tpu.memory_space<semaphore_mem>>) src(%dma_wait3A_91 : memref<632x128xf32, #tpu.memory_space<vmem_shared>>) dst(%dma_wait3A_89 : memref<632x128xf32, #tpu.memory_space<hbm>>)
      tpu.yield
    }) : () -> ()
    return
  }
}

#map = affine_map<(d0, d1) -> (0, 0)>
#map1 = affine_map<(d0, d1) -> (0, 0, 0)>
module attributes {stable_mosaic.version = 14 : i64} {
  func.func @_sc_aggregate(%arg0: i32, %arg1: i32, %arg2: memref<10112x128xf32, #tpu.memory_space<hbm>>, %arg3: memref<2x2560x128xi32, #tpu.memory_space<hbm>>, %arg4: memref<2x10112x128xf32, #tpu.memory_space<hbm>>, %arg5: memref<40x128xi32, #tpu.memory_space<vmem>>, %arg6: memref<40x128xi32, #tpu.memory_space<vmem>>, %arg7: memref<128x128xf32, #tpu.memory_space<vmem>>, %arg8: memref<128x128xf32, #tpu.memory_space<vmem>>, %arg9: memref<10112x128xf32, #tpu.memory_space<vmem_shared>>, %arg10: memref<!tpu.dma_semaphore, #tpu.memory_space<semaphore_mem>>, %arg11: memref<!tpu.dma_semaphore, #tpu.memory_space<semaphore_mem>>) attributes {dimension_semantics = [#tpu.dimension_semantics<core_parallel>, #tpu.dimension_semantics<subcore_parallel>], iteration_bounds = array<i64: 2, 16>, scalar_prefetch = 0 : i64, scratch_operands = 7 : i64, tpu.core_type = #tpu.core_type<sc_vector_subcore>, window_params = [{transform_indices = #map}, {transform_indices = #map1}, {transform_indices = #map1}]} {
    %mul3A = arith.constant 16 : i32
    %mul3A_0 = arith.muli %arg0, %mul3A : i32
    %add3A = arith.addi %mul3A_0, %arg1 : i32
    %broadcast_in_dim3A = arith.constant 0.000000e+00 : f32
    %broadcast_in_dim3A_1 = vector.broadcast %broadcast_in_dim3A : f32 to vector<16xf32>
    %scan3A = arith.constant 0 : i32
    %scan3A_2 = arith.constant 0 : i32
    %scan3A_3 = arith.constant 128 : i32
    %scan3A_4 = arith.addi %scan3A_2, %scan3A_3 : i32
    %scan3A_5 = arith.constant 1 : i32
    scf.for %scan3A_82 = %scan3A_2 to %scan3A_4 step %scan3A_5  : i32 {
      %swap3A = arith.index_cast %scan3A_82 : i32 to index
      %swap3A_83 = arith.constant 0 : index
      %swap3A_84 = tpu.vector_load %arg7[%swap3A, %swap3A_83] {strides = array<i32>} : memref<128x128xf32, #tpu.memory_space<vmem>>, vector<1x16xf32>,
      %swap3A_85 = vector.shape_cast %swap3A_84 : vector<1x16xf32> to vector<16xf32>
      %swap3A_86 = vector.shape_cast %broadcast_in_dim3A_1 : vector<16xf32> to vector<1x16xf32>
      tpu.vector_store %arg7[%swap3A, %swap3A_83], %swap3A_86 {strides = array<i32>} : memref<128x128xf32, #tpu.memory_space<vmem>>, vector<1x16xf32>,
      %swap3A_87 = arith.index_cast %scan3A_82 : i32 to index
      %swap3A_88 = arith.constant 16 : index
      %swap3A_89 = tpu.vector_load %arg7[%swap3A_87, %swap3A_88] {strides = array<i32>} : memref<128x128xf32, #tpu.memory_space<vmem>>, vector<1x16xf32>,
      %swap3A_90 = vector.shape_cast %swap3A_89 : vector<1x16xf32> to vector<16xf32>
      %swap3A_91 = vector.shape_cast %broadcast_in_dim3A_1 : vector<16xf32> to vector<1x16xf32>
      tpu.vector_store %arg7[%swap3A_87, %swap3A_88], %swap3A_91 {strides = array<i32>} : memref<128x128xf32, #tpu.memory_space<vmem>>, vector<1x16xf32>,
      %swap3A_92 = arith.index_cast %scan3A_82 : i32 to index
      %swap3A_93 = arith.constant 32 : index
      %swap3A_94 = tpu.vector_load %arg7[%swap3A_92, %swap3A_93] {strides = array<i32>} : memref<128x128xf32, #tpu.memory_space<vmem>>, vector<1x16xf32>,
      %swap3A_95 = vector.shape_cast %swap3A_94 : vector<1x16xf32> to vector<16xf32>
      %swap3A_96 = vector.shape_cast %broadcast_in_dim3A_1 : vector<16xf32> to vector<1x16xf32>
      tpu.vector_store %arg7[%swap3A_92, %swap3A_93], %swap3A_96 {strides = array<i32>} : memref<128x128xf32, #tpu.memory_space<vmem>>, vector<1x16xf32>,
      %swap3A_97 = arith.index_cast %scan3A_82 : i32 to index
      %swap3A_98 = arith.constant 48 : index
      %swap3A_99 = tpu.vector_load %arg7[%swap3A_97, %swap3A_98] {strides = array<i32>} : memref<128x128xf32, #tpu.memory_space<vmem>>, vector<1x16xf32>,
      %swap3A_100 = vector.shape_cast %swap3A_99 : vector<1x16xf32> to vector<16xf32>
      %swap3A_101 = vector.shape_cast %broadcast_in_dim3A_1 : vector<16xf32> to vector<1x16xf32>
      tpu.vector_store %arg7[%swap3A_97, %swap3A_98], %swap3A_101 {strides = array<i32>} : memref<128x128xf32, #tpu.memory_space<vmem>>, vector<1x16xf32>,
      %swap3A_102 = arith.index_cast %scan3A_82 : i32 to index
      %swap3A_103 = arith.constant 64 : index
      %swap3A_104 = tpu.vector_load %arg7[%swap3A_102, %swap3A_103] {strides = array<i32>} : memref<128x128xf32, #tpu.memory_space<vmem>>, vector<1x16xf32>,
      %swap3A_105 = vector.shape_cast %swap3A_104 : vector<1x16xf32> to vector<16xf32>
      %swap3A_106 = vector.shape_cast %broadcast_in_dim3A_1 : vector<16xf32> to vector<1x16xf32>
      tpu.vector_store %arg7[%swap3A_102, %swap3A_103], %swap3A_106 {strides = array<i32>} : memref<128x128xf32, #tpu.memory_space<vmem>>, vector<1x16xf32>,
      %swap3A_107 = arith.index_cast %scan3A_82 : i32 to index
      %swap3A_108 = arith.constant 80 : index
      %swap3A_109 = tpu.vector_load %arg7[%swap3A_107, %swap3A_108] {strides = array<i32>} : memref<128x128xf32, #tpu.memory_space<vmem>>, vector<1x16xf32>,
      %swap3A_110 = vector.shape_cast %swap3A_109 : vector<1x16xf32> to vector<16xf32>
      %swap3A_111 = vector.shape_cast %broadcast_in_dim3A_1 : vector<16xf32> to vector<1x16xf32>
      tpu.vector_store %arg7[%swap3A_107, %swap3A_108], %swap3A_111 {strides = array<i32>} : memref<128x128xf32, #tpu.memory_space<vmem>>, vector<1x16xf32>,
      %swap3A_112 = arith.index_cast %scan3A_82 : i32 to index
      %swap3A_113 = arith.constant 96 : index
      %swap3A_114 = tpu.vector_load %arg7[%swap3A_112, %swap3A_113] {strides = array<i32>} : memref<128x128xf32, #tpu.memory_space<vmem>>, vector<1x16xf32>,
      %swap3A_115 = vector.shape_cast %swap3A_114 : vector<1x16xf32> to vector<16xf32>
      %swap3A_116 = vector.shape_cast %broadcast_in_dim3A_1 : vector<16xf32> to vector<1x16xf32>
      tpu.vector_store %arg7[%swap3A_112, %swap3A_113], %swap3A_116 {strides = array<i32>} : memref<128x128xf32, #tpu.memory_space<vmem>>, vector<1x16xf32>,
      %swap3A_117 = arith.index_cast %scan3A_82 : i32 to index
      %swap3A_118 = arith.constant 112 : index
      %swap3A_119 = tpu.vector_load %arg7[%swap3A_117, %swap3A_118] {strides = array<i32>} : memref<128x128xf32, #tpu.memory_space<vmem>>, vector<1x16xf32>,
      %swap3A_120 = vector.shape_cast %swap3A_119 : vector<1x16xf32> to vector<16xf32>
      %swap3A_121 = vector.shape_cast %broadcast_in_dim3A_1 : vector<16xf32> to vector<1x16xf32>
      tpu.vector_store %arg7[%swap3A_117, %swap3A_118], %swap3A_121 {strides = array<i32>} : memref<128x128xf32, #tpu.memory_space<vmem>>, vector<1x16xf32>,
    }
    %scan3A_6 = arith.constant 128 : i32
    %mul3A_7 = arith.constant 632 : i32
    %mul3A_8 = arith.muli %arg1, %mul3A_7 : i32
    %add3A_9 = arith.constant 0 : i32
    %add3A_10 = arith.addi %mul3A_8, %add3A_9 : i32
    "tpu.region"() ({
      %run_scoped3A_82 = tpu.sem_alloc : memref<!tpu.dma_semaphore, #tpu.memory_space<semaphore_mem>>
      %dma_start3A_83 = arith.constant 0 : i32
      %dma_start3A_84 = tpu.memref_slice %arg9[%add3A_10, %dma_start3A_83] : memref<10112x128xf32, #tpu.memory_space<vmem_shared>> -> memref<128x128xf32, #tpu.memory_space<vmem_shared>>
      %dma_start3A_85 = arith.constant 0 : i32
      %dma_start3A_86 = tpu.memref_slice %arg9[%add3A_10, %dma_start3A_85] : memref<10112x128xf32, #tpu.memory_space<vmem_shared>> -> memref<128x128xf32, #tpu.memory_space<vmem_shared>>
      tpu.enqueue_dma source(%arg7 : memref<128x128xf32, #tpu.memory_space<vmem>>) target(%dma_start3A_86 : memref<128x128xf32, #tpu.memory_space<vmem_shared>>) target_semaphore(%run_scoped3A_82 : memref<!tpu.dma_semaphore, #tpu.memory_space<semaphore_mem>>)
      %dma_wait3A = arith.constant 0 : i32
      %dma_wait3A_87 = tpu.memref_slice %arg9[%add3A_10, %dma_wait3A] : memref<10112x128xf32, #tpu.memory_space<vmem_shared>> -> memref<128x128xf32, #tpu.memory_space<vmem_shared>>
      %dma_wait3A_88 = arith.constant 0 : i32
      %dma_wait3A_89 = tpu.memref_slice %arg9[%add3A_10, %dma_wait3A_88] : memref<10112x128xf32, #tpu.memory_space<vmem_shared>> -> memref<128x128xf32, #tpu.memory_space<vmem_shared>>
      tpu.wait_dma2 semaphore(%run_scoped3A_82 : memref<!tpu.dma_semaphore, #tpu.memory_space<semaphore_mem>>) src(%arg7 : memref<128x128xf32, #tpu.memory_space<vmem>>) dst(%dma_wait3A_89 : memref<128x128xf32, #tpu.memory_space<vmem_shared>>)
      tpu.yield
    }) : () -> ()
    %mul3A_11 = arith.constant 632 : i32
    %mul3A_12 = arith.muli %arg1, %mul3A_11 : i32
    %add3A_13 = arith.constant 128 : i32
    %add3A_14 = arith.addi %mul3A_12, %add3A_13 : i32
    "tpu.region"() ({
      %run_scoped3A_82 = tpu.sem_alloc : memref<!tpu.dma_semaphore, #tpu.memory_space<semaphore_mem>>
      %dma_start3A_83 = arith.constant 0 : i32
      %dma_start3A_84 = tpu.memref_slice %arg9[%add3A_14, %dma_start3A_83] : memref<10112x128xf32, #tpu.memory_space<vmem_shared>> -> memref<128x128xf32, #tpu.memory_space<vmem_shared>>
      %dma_start3A_85 = arith.constant 0 : i32
      %dma_start3A_86 = tpu.memref_slice %arg9[%add3A_14, %dma_start3A_85] : memref<10112x128xf32, #tpu.memory_space<vmem_shared>> -> memref<128x128xf32, #tpu.memory_space<vmem_shared>>
      tpu.enqueue_dma source(%arg7 : memref<128x128xf32, #tpu.memory_space<vmem>>) target(%dma_start3A_86 : memref<128x128xf32, #tpu.memory_space<vmem_shared>>) target_semaphore(%run_scoped3A_82 : memref<!tpu.dma_semaphore, #tpu.memory_space<semaphore_mem>>)
      %dma_wait3A = arith.constant 0 : i32
      %dma_wait3A_87 = tpu.memref_slice %arg9[%add3A_14, %dma_wait3A] : memref<10112x128xf32, #tpu.memory_space<vmem_shared>> -> memref<128x128xf32, #tpu.memory_space<vmem_shared>>
      %dma_wait3A_88 = arith.constant 0 : i32
      %dma_wait3A_89 = tpu.memref_slice %arg9[%add3A_14, %dma_wait3A_88] : memref<10112x128xf32, #tpu.memory_space<vmem_shared>> -> memref<128x128xf32, #tpu.memory_space<vmem_shared>>
      tpu.wait_dma2 semaphore(%run_scoped3A_82 : memref<!tpu.dma_semaphore, #tpu.memory_space<semaphore_mem>>) src(%arg7 : memref<128x128xf32, #tpu.memory_space<vmem>>) dst(%dma_wait3A_89 : memref<128x128xf32, #tpu.memory_space<vmem_shared>>)
      tpu.yield
    }) : () -> ()
    %mul3A_15 = arith.constant 632 : i32
    %mul3A_16 = arith.muli %arg1, %mul3A_15 : i32
    %add3A_17 = arith.constant 256 : i32
    %add3A_18 = arith.addi %mul3A_16, %add3A_17 : i32
    "tpu.region"() ({
      %run_scoped3A_82 = tpu.sem_alloc : memref<!tpu.dma_semaphore, #tpu.memory_space<semaphore_mem>>
      %dma_start3A_83 = arith.constant 0 : i32
      %dma_start3A_84 = tpu.memref_slice %arg9[%add3A_18, %dma_start3A_83] : memref<10112x128xf32, #tpu.memory_space<vmem_shared>> -> memref<128x128xf32, #tpu.memory_space<vmem_shared>>
      %dma_start3A_85 = arith.constant 0 : i32
      %dma_start3A_86 = tpu.memref_slice %arg9[%add3A_18, %dma_start3A_85] : memref<10112x128xf32, #tpu.memory_space<vmem_shared>> -> memref<128x128xf32, #tpu.memory_space<vmem_shared>>
      tpu.enqueue_dma source(%arg7 : memref<128x128xf32, #tpu.memory_space<vmem>>) target(%dma_start3A_86 : memref<128x128xf32, #tpu.memory_space<vmem_shared>>) target_semaphore(%run_scoped3A_82 : memref<!tpu.dma_semaphore, #tpu.memory_space<semaphore_mem>>)
      %dma_wait3A = arith.constant 0 : i32
      %dma_wait3A_87 = tpu.memref_slice %arg9[%add3A_18, %dma_wait3A] : memref<10112x128xf32, #tpu.memory_space<vmem_shared>> -> memref<128x128xf32, #tpu.memory_space<vmem_shared>>
      %dma_wait3A_88 = arith.constant 0 : i32
      %dma_wait3A_89 = tpu.memref_slice %arg9[%add3A_18, %dma_wait3A_88] : memref<10112x128xf32, #tpu.memory_space<vmem_shared>> -> memref<128x128xf32, #tpu.memory_space<vmem_shared>>
      tpu.wait_dma2 semaphore(%run_scoped3A_82 : memref<!tpu.dma_semaphore, #tpu.memory_space<semaphore_mem>>) src(%arg7 : memref<128x128xf32, #tpu.memory_space<vmem>>) dst(%dma_wait3A_89 : memref<128x128xf32, #tpu.memory_space<vmem_shared>>)
      tpu.yield
    }) : () -> ()
    %mul3A_19 = arith.constant 632 : i32
    %mul3A_20 = arith.muli %arg1, %mul3A_19 : i32
    %add3A_21 = arith.constant 384 : i32
    %add3A_22 = arith.addi %mul3A_20, %add3A_21 : i32
    "tpu.region"() ({
      %run_scoped3A_82 = tpu.sem_alloc : memref<!tpu.dma_semaphore, #tpu.memory_space<semaphore_mem>>
      %dma_start3A_83 = arith.constant 0 : i32
      %dma_start3A_84 = tpu.memref_slice %arg9[%add3A_22, %dma_start3A_83] : memref<10112x128xf32, #tpu.memory_space<vmem_shared>> -> memref<128x128xf32, #tpu.memory_space<vmem_shared>>
      %dma_start3A_85 = arith.constant 0 : i32
      %dma_start3A_86 = tpu.memref_slice %arg9[%add3A_22, %dma_start3A_85] : memref<10112x128xf32, #tpu.memory_space<vmem_shared>> -> memref<128x128xf32, #tpu.memory_space<vmem_shared>>
      tpu.enqueue_dma source(%arg7 : memref<128x128xf32, #tpu.memory_space<vmem>>) target(%dma_start3A_86 : memref<128x128xf32, #tpu.memory_space<vmem_shared>>) target_semaphore(%run_scoped3A_82 : memref<!tpu.dma_semaphore, #tpu.memory_space<semaphore_mem>>)
      %dma_wait3A = arith.constant 0 : i32
      %dma_wait3A_87 = tpu.memref_slice %arg9[%add3A_22, %dma_wait3A] : memref<10112x128xf32, #tpu.memory_space<vmem_shared>> -> memref<128x128xf32, #tpu.memory_space<vmem_shared>>
      %dma_wait3A_88 = arith.constant 0 : i32
      %dma_wait3A_89 = tpu.memref_slice %arg9[%add3A_22, %dma_wait3A_88] : memref<10112x128xf32, #tpu.memory_space<vmem_shared>> -> memref<128x128xf32, #tpu.memory_space<vmem_shared>>
      tpu.wait_dma2 semaphore(%run_scoped3A_82 : memref<!tpu.dma_semaphore, #tpu.memory_space<semaphore_mem>>) src(%arg7 : memref<128x128xf32, #tpu.memory_space<vmem>>) dst(%dma_wait3A_89 : memref<128x128xf32, #tpu.memory_space<vmem_shared>>)
      tpu.yield
    }) : () -> ()
    %mul3A_23 = arith.constant 632 : i32
    %mul3A_24 = arith.muli %arg1, %mul3A_23 : i32
    %add3A_25 = arith.constant 512 : i32
    %add3A_26 = arith.addi %mul3A_24, %add3A_25 : i32
    "tpu.region"() ({
      %run_scoped3A_82 = tpu.sem_alloc : memref<!tpu.dma_semaphore, #tpu.memory_space<semaphore_mem>>
      %dma_start3A_83 = arith.constant 0 : i32
      %dma_start3A_84 = arith.constant 0 : i32
      %dma_start3A_85 = tpu.memref_slice %arg7[%dma_start3A_83, %dma_start3A_84] : memref<128x128xf32, #tpu.memory_space<vmem>> -> memref<120x128xf32, #tpu.memory_space<vmem>>
      %dma_start3A_86 = arith.constant 0 : i32
      %dma_start3A_87 = tpu.memref_slice %arg9[%add3A_26, %dma_start3A_86] : memref<10112x128xf32, #tpu.memory_space<vmem_shared>> -> memref<120x128xf32, #tpu.memory_space<vmem_shared>>
      %dma_start3A_88 = arith.constant 0 : i32
      %dma_start3A_89 = tpu.memref_slice %arg9[%add3A_26, %dma_start3A_88] : memref<10112x128xf32, #tpu.memory_space<vmem_shared>> -> memref<120x128xf32, #tpu.memory_space<vmem_shared>>
      %dma_start3A_90 = arith.constant 0 : i32
      %dma_start3A_91 = arith.constant 0 : i32
      %dma_start3A_92 = tpu.memref_slice %arg7[%dma_start3A_90, %dma_start3A_91] : memref<128x128xf32, #tpu.memory_space<vmem>> -> memref<120x128xf32, #tpu.memory_space<vmem>>
      tpu.enqueue_dma source(%dma_start3A_92 : memref<120x128xf32, #tpu.memory_space<vmem>>) target(%dma_start3A_89 : memref<120x128xf32, #tpu.memory_space<vmem_shared>>) target_semaphore(%run_scoped3A_82 : memref<!tpu.dma_semaphore, #tpu.memory_space<semaphore_mem>>)
      %dma_wait3A = arith.constant 0 : i32
      %dma_wait3A_93 = arith.constant 0 : i32
      %dma_wait3A_94 = tpu.memref_slice %arg7[%dma_wait3A, %dma_wait3A_93] : memref<128x128xf32, #tpu.memory_space<vmem>> -> memref<120x128xf32, #tpu.memory_space<vmem>>
      %dma_wait3A_95 = arith.constant 0 : i32
      %dma_wait3A_96 = tpu.memref_slice %arg9[%add3A_26, %dma_wait3A_95] : memref<10112x128xf32, #tpu.memory_space<vmem_shared>> -> memref<120x128xf32, #tpu.memory_space<vmem_shared>>
      %dma_wait3A_97 = arith.constant 0 : i32
      %dma_wait3A_98 = tpu.memref_slice %arg9[%add3A_26, %dma_wait3A_97] : memref<10112x128xf32, #tpu.memory_space<vmem_shared>> -> memref<120x128xf32, #tpu.memory_space<vmem_shared>>
      %dma_wait3A_99 = arith.constant 0 : i32
      %dma_wait3A_100 = arith.constant 0 : i32
      %dma_wait3A_101 = tpu.memref_slice %arg7[%dma_wait3A_99, %dma_wait3A_100] : memref<128x128xf32, #tpu.memory_space<vmem>> -> memref<120x128xf32, #tpu.memory_space<vmem>>
      tpu.wait_dma2 semaphore(%run_scoped3A_82 : memref<!tpu.dma_semaphore, #tpu.memory_space<semaphore_mem>>) src(%dma_wait3A_101 : memref<120x128xf32, #tpu.memory_space<vmem>>) dst(%dma_wait3A_98 : memref<120x128xf32, #tpu.memory_space<vmem_shared>>)
      tpu.yield
    }) : () -> ()
    %barrier3A = arith.constant 0 : index
    tpu.barrier barrier_id(%barrier3A)
    %mul3A_27 = arith.constant 80 : i32
    %mul3A_28 = arith.muli %add3A, %mul3A_27 : i32
    %add3A_29 = arith.constant 0 : i32
    %add3A_30 = arith.addi %mul3A_28, %add3A_29 : i32
    %run_scoped3A = arith.constant 0 : i32
    "tpu.region"() ({
      %run_scoped3A_82 = tpu.sem_alloc : memref<!tpu.dma_semaphore, #tpu.memory_space<semaphore_mem>>
      %dma_start3A_83 = arith.constant 0 : i32
      %dma_start3A_84 = tpu.memref_slice %arg3[%run_scoped3A, %add3A_30, %dma_start3A_83] : memref<2x2560x128xi32, #tpu.memory_space<hbm>> -> memref<1x40x128xi32, #tpu.memory_space<hbm>>
      %dma_start3A_85 = tpu.memref_squeeze %dma_start3A_84 : memref<1x40x128xi32, #tpu.memory_space<hbm>> -> memref<40x128xi32, #tpu.memory_space<hbm>>
      %dma_start3A_86 = arith.constant 0 : i32
      %dma_start3A_87 = tpu.memref_slice %arg3[%run_scoped3A, %add3A_30, %dma_start3A_86] : memref<2x2560x128xi32, #tpu.memory_space<hbm>> -> memref<1x40x128xi32, #tpu.memory_space<hbm>>
      %dma_start3A_88 = tpu.memref_squeeze %dma_start3A_87 : memref<1x40x128xi32, #tpu.memory_space<hbm>> -> memref<40x128xi32, #tpu.memory_space<hbm>>
      tpu.enqueue_dma source(%dma_start3A_88 : memref<40x128xi32, #tpu.memory_space<hbm>>) target(%arg5 : memref<40x128xi32, #tpu.memory_space<vmem>>) target_semaphore(%run_scoped3A_82 : memref<!tpu.dma_semaphore, #tpu.memory_space<semaphore_mem>>)
      %dma_wait3A = arith.constant 0 : i32
      %dma_wait3A_89 = tpu.memref_slice %arg3[%run_scoped3A, %add3A_30, %dma_wait3A] : memref<2x2560x128xi32, #tpu.memory_space<hbm>> -> memref<1x40x128xi32, #tpu.memory_space<hbm>>
      %dma_wait3A_90 = tpu.memref_squeeze %dma_wait3A_89 : memref<1x40x128xi32, #tpu.memory_space<hbm>> -> memref<40x128xi32, #tpu.memory_space<hbm>>
      %dma_wait3A_91 = arith.constant 0 : i32
      %dma_wait3A_92 = tpu.memref_slice %arg3[%run_scoped3A, %add3A_30, %dma_wait3A_91] : memref<2x2560x128xi32, #tpu.memory_space<hbm>> -> memref<1x40x128xi32, #tpu.memory_space<hbm>>
      %dma_wait3A_93 = tpu.memref_squeeze %dma_wait3A_92 : memref<1x40x128xi32, #tpu.memory_space<hbm>> -> memref<40x128xi32, #tpu.memory_space<hbm>>
      tpu.wait_dma2 semaphore(%run_scoped3A_82 : memref<!tpu.dma_semaphore, #tpu.memory_space<semaphore_mem>>) src(%dma_wait3A_93 : memref<40x128xi32, #tpu.memory_space<hbm>>) dst(%arg5 : memref<40x128xi32, #tpu.memory_space<vmem>>)
      tpu.yield
    }) : () -> ()
    %run_scoped3A_31 = arith.constant 1 : i32
    "tpu.region"() ({
      %run_scoped3A_82 = tpu.sem_alloc : memref<!tpu.dma_semaphore, #tpu.memory_space<semaphore_mem>>
      %dma_start3A_83 = arith.constant 0 : i32
      %dma_start3A_84 = tpu.memref_slice %arg3[%run_scoped3A_31, %add3A_30, %dma_start3A_83] : memref<2x2560x128xi32, #tpu.memory_space<hbm>> -> memref<1x40x128xi32, #tpu.memory_space<hbm>>
      %dma_start3A_85 = tpu.memref_squeeze %dma_start3A_84 : memref<1x40x128xi32, #tpu.memory_space<hbm>> -> memref<40x128xi32, #tpu.memory_space<hbm>>
      %dma_start3A_86 = arith.constant 0 : i32
      %dma_start3A_87 = tpu.memref_slice %arg3[%run_scoped3A_31, %add3A_30, %dma_start3A_86] : memref<2x2560x128xi32, #tpu.memory_space<hbm>> -> memref<1x40x128xi32, #tpu.memory_space<hbm>>
      %dma_start3A_88 = tpu.memref_squeeze %dma_start3A_87 : memref<1x40x128xi32, #tpu.memory_space<hbm>> -> memref<40x128xi32, #tpu.memory_space<hbm>>
      tpu.enqueue_dma source(%dma_start3A_88 : memref<40x128xi32, #tpu.memory_space<hbm>>) target(%arg6 : memref<40x128xi32, #tpu.memory_space<vmem>>) target_semaphore(%run_scoped3A_82 : memref<!tpu.dma_semaphore, #tpu.memory_space<semaphore_mem>>)
      %dma_wait3A = arith.constant 0 : i32
      %dma_wait3A_89 = tpu.memref_slice %arg3[%run_scoped3A_31, %add3A_30, %dma_wait3A] : memref<2x2560x128xi32, #tpu.memory_space<hbm>> -> memref<1x40x128xi32, #tpu.memory_space<hbm>>
      %dma_wait3A_90 = tpu.memref_squeeze %dma_wait3A_89 : memref<1x40x128xi32, #tpu.memory_space<hbm>> -> memref<40x128xi32, #tpu.memory_space<hbm>>
      %dma_wait3A_91 = arith.constant 0 : i32
      %dma_wait3A_92 = tpu.memref_slice %arg3[%run_scoped3A_31, %add3A_30, %dma_wait3A_91] : memref<2x2560x128xi32, #tpu.memory_space<hbm>> -> memref<1x40x128xi32, #tpu.memory_space<hbm>>
      %dma_wait3A_93 = tpu.memref_squeeze %dma_wait3A_92 : memref<1x40x128xi32, #tpu.memory_space<hbm>> -> memref<40x128xi32, #tpu.memory_space<hbm>>
      tpu.wait_dma2 semaphore(%run_scoped3A_82 : memref<!tpu.dma_semaphore, #tpu.memory_space<semaphore_mem>>) src(%dma_wait3A_93 : memref<40x128xi32, #tpu.memory_space<hbm>>) dst(%arg6 : memref<40x128xi32, #tpu.memory_space<vmem>>)
      tpu.yield
    }) : () -> ()
    %dma_start3A = arith.constant 0 : i32
    %dma_start3A_32 = arith.constant 0 : i32
    %dma_start3A_33 = tpu.memref_slice %arg5[%dma_start3A, %dma_start3A_32] : memref<40x128xi32, #tpu.memory_space<vmem>> -> memref<1x128xi32, #tpu.memory_space<vmem>>
    %dma_start3A_34 = tpu.memref_squeeze %dma_start3A_33 : memref<1x128xi32, #tpu.memory_space<vmem>> -> memref<128xi32, #tpu.memory_space<vmem>>
    %dma_start3A_35 = arith.constant 0 : i32
    %dma_start3A_36 = arith.constant 0 : i32
    %dma_start3A_37 = tpu.memref_slice %arg2[%dma_start3A_35, %dma_start3A_36] : memref<10112x128xf32, #tpu.memory_space<hbm>> -> memref<10112x128xf32, #tpu.memory_space<hbm>>
    tpu.enqueue_indirect_dma source(%dma_start3A_37 : memref<10112x128xf32, #tpu.memory_space<hbm>>) target(%arg7 : memref<128x128xf32, #tpu.memory_space<vmem>>) offsets(%dma_start3A_34 : memref<128xi32, #tpu.memory_space<vmem>>) semaphore(%arg10 : memref<!tpu.dma_semaphore, #tpu.memory_space<semaphore_mem>>)
    %dma_start3A_38 = arith.constant 1 : i32
    %dma_start3A_39 = arith.constant 0 : i32
    %dma_start3A_40 = tpu.memref_slice %arg5[%dma_start3A_38, %dma_start3A_39] : memref<40x128xi32, #tpu.memory_space<vmem>> -> memref<1x128xi32, #tpu.memory_space<vmem>>
    %dma_start3A_41 = tpu.memref_squeeze %dma_start3A_40 : memref<1x128xi32, #tpu.memory_space<vmem>> -> memref<128xi32, #tpu.memory_space<vmem>>
    %dma_start3A_42 = arith.constant 0 : i32
    %dma_start3A_43 = arith.constant 0 : i32
    %dma_start3A_44 = tpu.memref_slice %arg2[%dma_start3A_42, %dma_start3A_43] : memref<10112x128xf32, #tpu.memory_space<hbm>> -> memref<10112x128xf32, #tpu.memory_space<hbm>>
    tpu.enqueue_indirect_dma source(%dma_start3A_44 : memref<10112x128xf32, #tpu.memory_space<hbm>>) target(%arg8 : memref<128x128xf32, #tpu.memory_space<vmem>>) offsets(%dma_start3A_41 : memref<128xi32, #tpu.memory_space<vmem>>) semaphore(%arg11 : memref<!tpu.dma_semaphore, #tpu.memory_space<semaphore_mem>>)
    %scan3A_45 = arith.constant 0 : i32
    %scan3A_46 = arith.constant 0 : i32
    %scan3A_47 = arith.constant 20 : i32
    %scan3A_48 = arith.addi %scan3A_46, %scan3A_47 : i32
    %scan3A_49 = arith.constant 1 : i32
    scf.for %scan3A_82 = %scan3A_46 to %scan3A_48 step %scan3A_49  : i32 {
      %mul3A_83 = arith.constant 2 : i32
      %mul3A_84 = arith.muli %scan3A_82, %mul3A_83 : i32
      %add3A_85 = arith.constant 0 : i32
      %add3A_86 = arith.addi %mul3A_84, %add3A_85 : i32
      %dma_wait3A = arith.constant 0 : i32
      %dma_wait3A_87 = tpu.memref_slice %arg5[%add3A_86, %dma_wait3A] : memref<40x128xi32, #tpu.memory_space<vmem>> -> memref<1x128xi32, #tpu.memory_space<vmem>>
      %dma_wait3A_88 = tpu.memref_squeeze %dma_wait3A_87 : memref<1x128xi32, #tpu.memory_space<vmem>> -> memref<128xi32, #tpu.memory_space<vmem>>
      %dma_wait3A_89 = arith.constant 0 : i32
      %dma_wait3A_90 = arith.constant 0 : i32
      %dma_wait3A_91 = tpu.memref_slice %arg2[%dma_wait3A_89, %dma_wait3A_90] : memref<10112x128xf32, #tpu.memory_space<hbm>> -> memref<10112x128xf32, #tpu.memory_space<hbm>>
      tpu.wait_indirect_dma semaphore(%arg10 : memref<!tpu.dma_semaphore, #tpu.memory_space<semaphore_mem>>) src(%dma_wait3A_91 : memref<10112x128xf32, #tpu.memory_space<hbm>>) dst(%arg7 : memref<128x128xf32, #tpu.memory_space<vmem>>)
      "tpu.region"() ({
        %run_scoped3A_113 = tpu.sem_alloc : memref<!tpu.dma_semaphore, #tpu.memory_space<semaphore_mem>>
        %dma_start3A_114 = arith.constant 0 : i32
        %dma_start3A_115 = tpu.memref_slice %arg6[%add3A_86, %dma_start3A_114] : memref<40x128xi32, #tpu.memory_space<vmem>> -> memref<1x128xi32, #tpu.memory_space<vmem>>
        %dma_start3A_116 = tpu.memref_squeeze %dma_start3A_115 : memref<1x128xi32, #tpu.memory_space<vmem>> -> memref<128xi32, #tpu.memory_space<vmem>>
        %dma_start3A_117 = arith.constant 0 : i32
        %dma_start3A_118 = arith.constant 0 : i32
        %dma_start3A_119 = tpu.memref_slice %arg9[%dma_start3A_117, %dma_start3A_118] : memref<10112x128xf32, #tpu.memory_space<vmem_shared>> -> memref<10112x128xf32, #tpu.memory_space<vmem_shared>>
        tpu.enqueue_indirect_dma source(%arg7 : memref<128x128xf32, #tpu.memory_space<vmem>>) target(%dma_start3A_119 : memref<10112x128xf32, #tpu.memory_space<vmem_shared>>) offsets(%dma_start3A_116 : memref<128xi32, #tpu.memory_space<vmem>>) semaphore(%run_scoped3A_113 : memref<!tpu.dma_semaphore, #tpu.memory_space<semaphore_mem>>) {add = true}
        %dma_wait3A_120 = arith.constant 0 : i32
        %dma_wait3A_121 = tpu.memref_slice %arg6[%add3A_86, %dma_wait3A_120] : memref<40x128xi32, #tpu.memory_space<vmem>> -> memref<1x128xi32, #tpu.memory_space<vmem>>
        %dma_wait3A_122 = tpu.memref_squeeze %dma_wait3A_121 : memref<1x128xi32, #tpu.memory_space<vmem>> -> memref<128xi32, #tpu.memory_space<vmem>>
        %dma_wait3A_123 = arith.constant 0 : i32
        %dma_wait3A_124 = arith.constant 0 : i32
        %dma_wait3A_125 = tpu.memref_slice %arg9[%dma_wait3A_123, %dma_wait3A_124] : memref<10112x128xf32, #tpu.memory_space<vmem_shared>> -> memref<10112x128xf32, #tpu.memory_space<vmem_shared>>
        tpu.wait_indirect_dma semaphore(%run_scoped3A_113 : memref<!tpu.dma_semaphore, #tpu.memory_space<semaphore_mem>>) src(%arg7 : memref<128x128xf32, #tpu.memory_space<vmem>>) dst(%dma_wait3A_125 : memref<10112x128xf32, #tpu.memory_space<vmem_shared>>)
        tpu.yield
      }) : () -> ()
      %add3A_92 = arith.constant 2 : i32
      %add3A_93 = arith.addi %add3A_86, %add3A_92 : i32
      %lt3A = arith.constant 40 : i32
      %lt3A_94 = arith.cmpi slt, %add3A_93, %lt3A : i32
      %convert_element_type3A = arith.extui %lt3A_94 : i1 to i32
      %cond3A = arith.constant 0 : i32
      %cond3A_95 = arith.cmpi ne, %convert_element_type3A, %cond3A : i32
      scf.if %cond3A_95 {
        %dma_start3A_113 = arith.constant 0 : i32
        %dma_start3A_114 = tpu.memref_slice %arg5[%add3A_93, %dma_start3A_113] : memref<40x128xi32, #tpu.memory_space<vmem>> -> memref<1x128xi32, #tpu.memory_space<vmem>>
        %dma_start3A_115 = tpu.memref_squeeze %dma_start3A_114 : memref<1x128xi32, #tpu.memory_space<vmem>> -> memref<128xi32, #tpu.memory_space<vmem>>
        %dma_start3A_116 = arith.constant 0 : i32
        %dma_start3A_117 = arith.constant 0 : i32
        %dma_start3A_118 = tpu.memref_slice %arg2[%dma_start3A_116, %dma_start3A_117] : memref<10112x128xf32, #tpu.memory_space<hbm>> -> memref<10112x128xf32, #tpu.memory_space<hbm>>
        tpu.enqueue_indirect_dma source(%dma_start3A_118 : memref<10112x128xf32, #tpu.memory_space<hbm>>) target(%arg7 : memref<128x128xf32, #tpu.memory_space<vmem>>) offsets(%dma_start3A_115 : memref<128xi32, #tpu.memory_space<vmem>>) semaphore(%arg10 : memref<!tpu.dma_semaphore, #tpu.memory_space<semaphore_mem>>)
      } else {
      }
      %mul3A_96 = arith.constant 2 : i32
      %mul3A_97 = arith.muli %scan3A_82, %mul3A_96 : i32
      %add3A_98 = arith.constant 1 : i32
      %add3A_99 = arith.addi %mul3A_97, %add3A_98 : i32
      %dma_wait3A_100 = arith.constant 0 : i32
      %dma_wait3A_101 = tpu.memref_slice %arg5[%add3A_99, %dma_wait3A_100] : memref<40x128xi32, #tpu.memory_space<vmem>> -> memref<1x128xi32, #tpu.memory_space<vmem>>
      %dma_wait3A_102 = tpu.memref_squeeze %dma_wait3A_101 : memref<1x128xi32, #tpu.memory_space<vmem>> -> memref<128xi32, #tpu.memory_space<vmem>>
      %dma_wait3A_103 = arith.constant 0 : i32
      %dma_wait3A_104 = arith.constant 0 : i32
      %dma_wait3A_105 = tpu.memref_slice %arg2[%dma_wait3A_103, %dma_wait3A_104] : memref<10112x128xf32, #tpu.memory_space<hbm>> -> memref<10112x128xf32, #tpu.memory_space<hbm>>
      tpu.wait_indirect_dma semaphore(%arg11 : memref<!tpu.dma_semaphore, #tpu.memory_space<semaphore_mem>>) src(%dma_wait3A_105 : memref<10112x128xf32, #tpu.memory_space<hbm>>) dst(%arg8 : memref<128x128xf32, #tpu.memory_space<vmem>>)
      "tpu.region"() ({
        %run_scoped3A_113 = tpu.sem_alloc : memref<!tpu.dma_semaphore, #tpu.memory_space<semaphore_mem>>
        %dma_start3A_114 = arith.constant 0 : i32
        %dma_start3A_115 = tpu.memref_slice %arg6[%add3A_99, %dma_start3A_114] : memref<40x128xi32, #tpu.memory_space<vmem>> -> memref<1x128xi32, #tpu.memory_space<vmem>>
        %dma_start3A_116 = tpu.memref_squeeze %dma_start3A_115 : memref<1x128xi32, #tpu.memory_space<vmem>> -> memref<128xi32, #tpu.memory_space<vmem>>
        %dma_start3A_117 = arith.constant 0 : i32
        %dma_start3A_118 = arith.constant 0 : i32
        %dma_start3A_119 = tpu.memref_slice %arg9[%dma_start3A_117, %dma_start3A_118] : memref<10112x128xf32, #tpu.memory_space<vmem_shared>> -> memref<10112x128xf32, #tpu.memory_space<vmem_shared>>
        tpu.enqueue_indirect_dma source(%arg8 : memref<128x128xf32, #tpu.memory_space<vmem>>) target(%dma_start3A_119 : memref<10112x128xf32, #tpu.memory_space<vmem_shared>>) offsets(%dma_start3A_116 : memref<128xi32, #tpu.memory_space<vmem>>) semaphore(%run_scoped3A_113 : memref<!tpu.dma_semaphore, #tpu.memory_space<semaphore_mem>>) {add = true}
        %dma_wait3A_120 = arith.constant 0 : i32
        %dma_wait3A_121 = tpu.memref_slice %arg6[%add3A_99, %dma_wait3A_120] : memref<40x128xi32, #tpu.memory_space<vmem>> -> memref<1x128xi32, #tpu.memory_space<vmem>>
        %dma_wait3A_122 = tpu.memref_squeeze %dma_wait3A_121 : memref<1x128xi32, #tpu.memory_space<vmem>> -> memref<128xi32, #tpu.memory_space<vmem>>
        %dma_wait3A_123 = arith.constant 0 : i32
        %dma_wait3A_124 = arith.constant 0 : i32
        %dma_wait3A_125 = tpu.memref_slice %arg9[%dma_wait3A_123, %dma_wait3A_124] : memref<10112x128xf32, #tpu.memory_space<vmem_shared>> -> memref<10112x128xf32, #tpu.memory_space<vmem_shared>>
        tpu.wait_indirect_dma semaphore(%run_scoped3A_113 : memref<!tpu.dma_semaphore, #tpu.memory_space<semaphore_mem>>) src(%arg8 : memref<128x128xf32, #tpu.memory_space<vmem>>) dst(%dma_wait3A_125 : memref<10112x128xf32, #tpu.memory_space<vmem_shared>>)
        tpu.yield
      }) : () -> ()
      %add3A_106 = arith.constant 2 : i32
      %add3A_107 = arith.addi %add3A_99, %add3A_106 : i32
      %lt3A_108 = arith.constant 40 : i32
      %lt3A_109 = arith.cmpi slt, %add3A_107, %lt3A_108 : i32
      %convert_element_type3A_110 = arith.extui %lt3A_109 : i1 to i32
      %cond3A_111 = arith.constant 0 : i32
      %cond3A_112 = arith.cmpi ne, %convert_element_type3A_110, %cond3A_111 : i32
      scf.if %cond3A_112 {
        %dma_start3A_113 = arith.constant 0 : i32
        %dma_start3A_114 = tpu.memref_slice %arg5[%add3A_107, %dma_start3A_113] : memref<40x128xi32, #tpu.memory_space<vmem>> -> memref<1x128xi32, #tpu.memory_space<vmem>>
        %dma_start3A_115 = tpu.memref_squeeze %dma_start3A_114 : memref<1x128xi32, #tpu.memory_space<vmem>> -> memref<128xi32, #tpu.memory_space<vmem>>
        %dma_start3A_116 = arith.constant 0 : i32
        %dma_start3A_117 = arith.constant 0 : i32
        %dma_start3A_118 = tpu.memref_slice %arg2[%dma_start3A_116, %dma_start3A_117] : memref<10112x128xf32, #tpu.memory_space<hbm>> -> memref<10112x128xf32, #tpu.memory_space<hbm>>
        tpu.enqueue_indirect_dma source(%dma_start3A_118 : memref<10112x128xf32, #tpu.memory_space<hbm>>) target(%arg8 : memref<128x128xf32, #tpu.memory_space<vmem>>) offsets(%dma_start3A_115 : memref<128xi32, #tpu.memory_space<vmem>>) semaphore(%arg11 : memref<!tpu.dma_semaphore, #tpu.memory_space<semaphore_mem>>)
      } else {
      }
    }
    %scan3A_50 = arith.constant 20 : i32
    %mul3A_51 = arith.constant 80 : i32
    %mul3A_52 = arith.muli %add3A, %mul3A_51 : i32
    %add3A_53 = arith.constant 40 : i32
    %add3A_54 = arith.addi %mul3A_52, %add3A_53 : i32
    %run_scoped3A_55 = arith.constant 0 : i32
    "tpu.region"() ({
      %run_scoped3A_82 = tpu.sem_alloc : memref<!tpu.dma_semaphore, #tpu.memory_space<semaphore_mem>>
      %dma_start3A_83 = arith.constant 0 : i32
      %dma_start3A_84 = tpu.memref_slice %arg3[%run_scoped3A_55, %add3A_54, %dma_start3A_83] : memref<2x2560x128xi32, #tpu.memory_space<hbm>> -> memref<1x40x128xi32, #tpu.memory_space<hbm>>
      %dma_start3A_85 = tpu.memref_squeeze %dma_start3A_84 : memref<1x40x128xi32, #tpu.memory_space<hbm>> -> memref<40x128xi32, #tpu.memory_space<hbm>>
      %dma_start3A_86 = arith.constant 0 : i32
      %dma_start3A_87 = tpu.memref_slice %arg3[%run_scoped3A_55, %add3A_54, %dma_start3A_86] : memref<2x2560x128xi32, #tpu.memory_space<hbm>> -> memref<1x40x128xi32, #tpu.memory_space<hbm>>
      %dma_start3A_88 = tpu.memref_squeeze %dma_start3A_87 : memref<1x40x128xi32, #tpu.memory_space<hbm>> -> memref<40x128xi32, #tpu.memory_space<hbm>>
      tpu.enqueue_dma source(%dma_start3A_88 : memref<40x128xi32, #tpu.memory_space<hbm>>) target(%arg5 : memref<40x128xi32, #tpu.memory_space<vmem>>) target_semaphore(%run_scoped3A_82 : memref<!tpu.dma_semaphore, #tpu.memory_space<semaphore_mem>>)
      %dma_wait3A = arith.constant 0 : i32
      %dma_wait3A_89 = tpu.memref_slice %arg3[%run_scoped3A_55, %add3A_54, %dma_wait3A] : memref<2x2560x128xi32, #tpu.memory_space<hbm>> -> memref<1x40x128xi32, #tpu.memory_space<hbm>>
      %dma_wait3A_90 = tpu.memref_squeeze %dma_wait3A_89 : memref<1x40x128xi32, #tpu.memory_space<hbm>> -> memref<40x128xi32, #tpu.memory_space<hbm>>
      %dma_wait3A_91 = arith.constant 0 : i32
      %dma_wait3A_92 = tpu.memref_slice %arg3[%run_scoped3A_55, %add3A_54, %dma_wait3A_91] : memref<2x2560x128xi32, #tpu.memory_space<hbm>> -> memref<1x40x128xi32, #tpu.memory_space<hbm>>
      %dma_wait3A_93 = tpu.memref_squeeze %dma_wait3A_92 : memref<1x40x128xi32, #tpu.memory_space<hbm>> -> memref<40x128xi32, #tpu.memory_space<hbm>>
      tpu.wait_dma2 semaphore(%run_scoped3A_82 : memref<!tpu.dma_semaphore, #tpu.memory_space<semaphore_mem>>) src(%dma_wait3A_93 : memref<40x128xi32, #tpu.memory_space<hbm>>) dst(%arg5 : memref<40x128xi32, #tpu.memory_space<vmem>>)
      tpu.yield
    }) : () -> ()
    %run_scoped3A_56 = arith.constant 1 : i32
    "tpu.region"() ({
      %run_scoped3A_82 = tpu.sem_alloc : memref<!tpu.dma_semaphore, #tpu.memory_space<semaphore_mem>>
      %dma_start3A_83 = arith.constant 0 : i32
      %dma_start3A_84 = tpu.memref_slice %arg3[%run_scoped3A_56, %add3A_54, %dma_start3A_83] : memref<2x2560x128xi32, #tpu.memory_space<hbm>> -> memref<1x40x128xi32, #tpu.memory_space<hbm>>
      %dma_start3A_85 = tpu.memref_squeeze %dma_start3A_84 : memref<1x40x128xi32, #tpu.memory_space<hbm>> -> memref<40x128xi32, #tpu.memory_space<hbm>>
      %dma_start3A_86 = arith.constant 0 : i32
      %dma_start3A_87 = tpu.memref_slice %arg3[%run_scoped3A_56, %add3A_54, %dma_start3A_86] : memref<2x2560x128xi32, #tpu.memory_space<hbm>> -> memref<1x40x128xi32, #tpu.memory_space<hbm>>
      %dma_start3A_88 = tpu.memref_squeeze %dma_start3A_87 : memref<1x40x128xi32, #tpu.memory_space<hbm>> -> memref<40x128xi32, #tpu.memory_space<hbm>>
      tpu.enqueue_dma source(%dma_start3A_88 : memref<40x128xi32, #tpu.memory_space<hbm>>) target(%arg6 : memref<40x128xi32, #tpu.memory_space<vmem>>) target_semaphore(%run_scoped3A_82 : memref<!tpu.dma_semaphore, #tpu.memory_space<semaphore_mem>>)
      %dma_wait3A = arith.constant 0 : i32
      %dma_wait3A_89 = tpu.memref_slice %arg3[%run_scoped3A_56, %add3A_54, %dma_wait3A] : memref<2x2560x128xi32, #tpu.memory_space<hbm>> -> memref<1x40x128xi32, #tpu.memory_space<hbm>>
      %dma_wait3A_90 = tpu.memref_squeeze %dma_wait3A_89 : memref<1x40x128xi32, #tpu.memory_space<hbm>> -> memref<40x128xi32, #tpu.memory_space<hbm>>
      %dma_wait3A_91 = arith.constant 0 : i32
      %dma_wait3A_92 = tpu.memref_slice %arg3[%run_scoped3A_56, %add3A_54, %dma_wait3A_91] : memref<2x2560x128xi32, #tpu.memory_space<hbm>> -> memref<1x40x128xi32, #tpu.memory_space<hbm>>
      %dma_wait3A_93 = tpu.memref_squeeze %dma_wait3A_92 : memref<1x40x128xi32, #tpu.memory_space<hbm>> -> memref<40x128xi32, #tpu.memory_space<hbm>>
      tpu.wait_dma2 semaphore(%run_scoped3A_82 : memref<!tpu.dma_semaphore, #tpu.memory_space<semaphore_mem>>) src(%dma_wait3A_93 : memref<40x128xi32, #tpu.memory_space<hbm>>) dst(%arg6 : memref<40x128xi32, #tpu.memory_space<vmem>>)
      tpu.yield
    }) : () -> ()
    %dma_start3A_57 = arith.constant 0 : i32
    %dma_start3A_58 = arith.constant 0 : i32
    %dma_start3A_59 = tpu.memref_slice %arg5[%dma_start3A_57, %dma_start3A_58] : memref<40x128xi32, #tpu.memory_space<vmem>> -> memref<1x128xi32, #tpu.memory_space<vmem>>
    %dma_start3A_60 = tpu.memref_squeeze %dma_start3A_59 : memref<1x128xi32, #tpu.memory_space<vmem>> -> memref<128xi32, #tpu.memory_space<vmem>>
    %dma_start3A_61 = arith.constant 0 : i32
    %dma_start3A_62 = arith.constant 0 : i32
    %dma_start3A_63 = tpu.memref_slice %arg2[%dma_start3A_61, %dma_start3A_62] : memref<10112x128xf32, #tpu.memory_space<hbm>> -> memref<10112x128xf32, #tpu.memory_space<hbm>>
    tpu.enqueue_indirect_dma source(%dma_start3A_63 : memref<10112x128xf32, #tpu.memory_space<hbm>>) target(%arg7 : memref<128x128xf32, #tpu.memory_space<vmem>>) offsets(%dma_start3A_60 : memref<128xi32, #tpu.memory_space<vmem>>) semaphore(%arg10 : memref<!tpu.dma_semaphore, #tpu.memory_space<semaphore_mem>>)
    %dma_start3A_64 = arith.constant 1 : i32
    %dma_start3A_65 = arith.constant 0 : i32
    %dma_start3A_66 = tpu.memref_slice %arg5[%dma_start3A_64, %dma_start3A_65] : memref<40x128xi32, #tpu.memory_space<vmem>> -> memref<1x128xi32, #tpu.memory_space<vmem>>
    %dma_start3A_67 = tpu.memref_squeeze %dma_start3A_66 : memref<1x128xi32, #tpu.memory_space<vmem>> -> memref<128xi32, #tpu.memory_space<vmem>>
    %dma_start3A_68 = arith.constant 0 : i32
    %dma_start3A_69 = arith.constant 0 : i32
    %dma_start3A_70 = tpu.memref_slice %arg2[%dma_start3A_68, %dma_start3A_69] : memref<10112x128xf32, #tpu.memory_space<hbm>> -> memref<10112x128xf32, #tpu.memory_space<hbm>>
    tpu.enqueue_indirect_dma source(%dma_start3A_70 : memref<10112x128xf32, #tpu.memory_space<hbm>>) target(%arg8 : memref<128x128xf32, #tpu.memory_space<vmem>>) offsets(%dma_start3A_67 : memref<128xi32, #tpu.memory_space<vmem>>) semaphore(%arg11 : memref<!tpu.dma_semaphore, #tpu.memory_space<semaphore_mem>>)
    %scan3A_71 = arith.constant 0 : i32
    %scan3A_72 = arith.constant 0 : i32
    %scan3A_73 = arith.constant 20 : i32
    %scan3A_74 = arith.addi %scan3A_72, %scan3A_73 : i32
    %scan3A_75 = arith.constant 1 : i32
    scf.for %scan3A_82 = %scan3A_72 to %scan3A_74 step %scan3A_75  : i32 {
      %mul3A_83 = arith.constant 2 : i32
      %mul3A_84 = arith.muli %scan3A_82, %mul3A_83 : i32
      %add3A_85 = arith.constant 0 : i32
      %add3A_86 = arith.addi %mul3A_84, %add3A_85 : i32
      %dma_wait3A = arith.constant 0 : i32
      %dma_wait3A_87 = tpu.memref_slice %arg5[%add3A_86, %dma_wait3A] : memref<40x128xi32, #tpu.memory_space<vmem>> -> memref<1x128xi32, #tpu.memory_space<vmem>>
      %dma_wait3A_88 = tpu.memref_squeeze %dma_wait3A_87 : memref<1x128xi32, #tpu.memory_space<vmem>> -> memref<128xi32, #tpu.memory_space<vmem>>
      %dma_wait3A_89 = arith.constant 0 : i32
      %dma_wait3A_90 = arith.constant 0 : i32
      %dma_wait3A_91 = tpu.memref_slice %arg2[%dma_wait3A_89, %dma_wait3A_90] : memref<10112x128xf32, #tpu.memory_space<hbm>> -> memref<10112x128xf32, #tpu.memory_space<hbm>>
      tpu.wait_indirect_dma semaphore(%arg10 : memref<!tpu.dma_semaphore, #tpu.memory_space<semaphore_mem>>) src(%dma_wait3A_91 : memref<10112x128xf32, #tpu.memory_space<hbm>>) dst(%arg7 : memref<128x128xf32, #tpu.memory_space<vmem>>)
      "tpu.region"() ({
        %run_scoped3A_113 = tpu.sem_alloc : memref<!tpu.dma_semaphore, #tpu.memory_space<semaphore_mem>>
        %dma_start3A_114 = arith.constant 0 : i32
        %dma_start3A_115 = tpu.memref_slice %arg6[%add3A_86, %dma_start3A_114] : memref<40x128xi32, #tpu.memory_space<vmem>> -> memref<1x128xi32, #tpu.memory_space<vmem>>
        %dma_start3A_116 = tpu.memref_squeeze %dma_start3A_115 : memref<1x128xi32, #tpu.memory_space<vmem>> -> memref<128xi32, #tpu.memory_space<vmem>>
        %dma_start3A_117 = arith.constant 0 : i32
        %dma_start3A_118 = arith.constant 0 : i32
        %dma_start3A_119 = tpu.memref_slice %arg9[%dma_start3A_117, %dma_start3A_118] : memref<10112x128xf32, #tpu.memory_space<vmem_shared>> -> memref<10112x128xf32, #tpu.memory_space<vmem_shared>>
        tpu.enqueue_indirect_dma source(%arg7 : memref<128x128xf32, #tpu.memory_space<vmem>>) target(%dma_start3A_119 : memref<10112x128xf32, #tpu.memory_space<vmem_shared>>) offsets(%dma_start3A_116 : memref<128xi32, #tpu.memory_space<vmem>>) semaphore(%run_scoped3A_113 : memref<!tpu.dma_semaphore, #tpu.memory_space<semaphore_mem>>) {add = true}
        %dma_wait3A_120 = arith.constant 0 : i32
        %dma_wait3A_121 = tpu.memref_slice %arg6[%add3A_86, %dma_wait3A_120] : memref<40x128xi32, #tpu.memory_space<vmem>> -> memref<1x128xi32, #tpu.memory_space<vmem>>
        %dma_wait3A_122 = tpu.memref_squeeze %dma_wait3A_121 : memref<1x128xi32, #tpu.memory_space<vmem>> -> memref<128xi32, #tpu.memory_space<vmem>>
        %dma_wait3A_123 = arith.constant 0 : i32
        %dma_wait3A_124 = arith.constant 0 : i32
        %dma_wait3A_125 = tpu.memref_slice %arg9[%dma_wait3A_123, %dma_wait3A_124] : memref<10112x128xf32, #tpu.memory_space<vmem_shared>> -> memref<10112x128xf32, #tpu.memory_space<vmem_shared>>
        tpu.wait_indirect_dma semaphore(%run_scoped3A_113 : memref<!tpu.dma_semaphore, #tpu.memory_space<semaphore_mem>>) src(%arg7 : memref<128x128xf32, #tpu.memory_space<vmem>>) dst(%dma_wait3A_125 : memref<10112x128xf32, #tpu.memory_space<vmem_shared>>)
        tpu.yield
      }) : () -> ()
      %add3A_92 = arith.constant 2 : i32
      %add3A_93 = arith.addi %add3A_86, %add3A_92 : i32
      %lt3A = arith.constant 40 : i32
      %lt3A_94 = arith.cmpi slt, %add3A_93, %lt3A : i32
      %convert_element_type3A = arith.extui %lt3A_94 : i1 to i32
      %cond3A = arith.constant 0 : i32
      %cond3A_95 = arith.cmpi ne, %convert_element_type3A, %cond3A : i32
      scf.if %cond3A_95 {
        %dma_start3A_113 = arith.constant 0 : i32
        %dma_start3A_114 = tpu.memref_slice %arg5[%add3A_93, %dma_start3A_113] : memref<40x128xi32, #tpu.memory_space<vmem>> -> memref<1x128xi32, #tpu.memory_space<vmem>>
        %dma_start3A_115 = tpu.memref_squeeze %dma_start3A_114 : memref<1x128xi32, #tpu.memory_space<vmem>> -> memref<128xi32, #tpu.memory_space<vmem>>
        %dma_start3A_116 = arith.constant 0 : i32
        %dma_start3A_117 = arith.constant 0 : i32
        %dma_start3A_118 = tpu.memref_slice %arg2[%dma_start3A_116, %dma_start3A_117] : memref<10112x128xf32, #tpu.memory_space<hbm>> -> memref<10112x128xf32, #tpu.memory_space<hbm>>
        tpu.enqueue_indirect_dma source(%dma_start3A_118 : memref<10112x128xf32, #tpu.memory_space<hbm>>) target(%arg7 : memref<128x128xf32, #tpu.memory_space<vmem>>) offsets(%dma_start3A_115 : memref<128xi32, #tpu.memory_space<vmem>>) semaphore(%arg10 : memref<!tpu.dma_semaphore, #tpu.memory_space<semaphore_mem>>)
      } else {
      }
      %mul3A_96 = arith.constant 2 : i32
      %mul3A_97 = arith.muli %scan3A_82, %mul3A_96 : i32
      %add3A_98 = arith.constant 1 : i32
      %add3A_99 = arith.addi %mul3A_97, %add3A_98 : i32
      %dma_wait3A_100 = arith.constant 0 : i32
      %dma_wait3A_101 = tpu.memref_slice %arg5[%add3A_99, %dma_wait3A_100] : memref<40x128xi32, #tpu.memory_space<vmem>> -> memref<1x128xi32, #tpu.memory_space<vmem>>
      %dma_wait3A_102 = tpu.memref_squeeze %dma_wait3A_101 : memref<1x128xi32, #tpu.memory_space<vmem>> -> memref<128xi32, #tpu.memory_space<vmem>>
      %dma_wait3A_103 = arith.constant 0 : i32
      %dma_wait3A_104 = arith.constant 0 : i32
      %dma_wait3A_105 = tpu.memref_slice %arg2[%dma_wait3A_103, %dma_wait3A_104] : memref<10112x128xf32, #tpu.memory_space<hbm>> -> memref<10112x128xf32, #tpu.memory_space<hbm>>
      tpu.wait_indirect_dma semaphore(%arg11 : memref<!tpu.dma_semaphore, #tpu.memory_space<semaphore_mem>>) src(%dma_wait3A_105 : memref<10112x128xf32, #tpu.memory_space<hbm>>) dst(%arg8 : memref<128x128xf32, #tpu.memory_space<vmem>>)
      "tpu.region"() ({
        %run_scoped3A_113 = tpu.sem_alloc : memref<!tpu.dma_semaphore, #tpu.memory_space<semaphore_mem>>
        %dma_start3A_114 = arith.constant 0 : i32
        %dma_start3A_115 = tpu.memref_slice %arg6[%add3A_99, %dma_start3A_114] : memref<40x128xi32, #tpu.memory_space<vmem>> -> memref<1x128xi32, #tpu.memory_space<vmem>>
        %dma_start3A_116 = tpu.memref_squeeze %dma_start3A_115 : memref<1x128xi32, #tpu.memory_space<vmem>> -> memref<128xi32, #tpu.memory_space<vmem>>
        %dma_start3A_117 = arith.constant 0 : i32
        %dma_start3A_118 = arith.constant 0 : i32
        %dma_start3A_119 = tpu.memref_slice %arg9[%dma_start3A_117, %dma_start3A_118] : memref<10112x128xf32, #tpu.memory_space<vmem_shared>> -> memref<10112x128xf32, #tpu.memory_space<vmem_shared>>
        tpu.enqueue_indirect_dma source(%arg8 : memref<128x128xf32, #tpu.memory_space<vmem>>) target(%dma_start3A_119 : memref<10112x128xf32, #tpu.memory_space<vmem_shared>>) offsets(%dma_start3A_116 : memref<128xi32, #tpu.memory_space<vmem>>) semaphore(%run_scoped3A_113 : memref<!tpu.dma_semaphore, #tpu.memory_space<semaphore_mem>>) {add = true}
        %dma_wait3A_120 = arith.constant 0 : i32
        %dma_wait3A_121 = tpu.memref_slice %arg6[%add3A_99, %dma_wait3A_120] : memref<40x128xi32, #tpu.memory_space<vmem>> -> memref<1x128xi32, #tpu.memory_space<vmem>>
        %dma_wait3A_122 = tpu.memref_squeeze %dma_wait3A_121 : memref<1x128xi32, #tpu.memory_space<vmem>> -> memref<128xi32, #tpu.memory_space<vmem>>
        %dma_wait3A_123 = arith.constant 0 : i32
        %dma_wait3A_124 = arith.constant 0 : i32
        %dma_wait3A_125 = tpu.memref_slice %arg9[%dma_wait3A_123, %dma_wait3A_124] : memref<10112x128xf32, #tpu.memory_space<vmem_shared>> -> memref<10112x128xf32, #tpu.memory_space<vmem_shared>>
        tpu.wait_indirect_dma semaphore(%run_scoped3A_113 : memref<!tpu.dma_semaphore, #tpu.memory_space<semaphore_mem>>) src(%arg8 : memref<128x128xf32, #tpu.memory_space<vmem>>) dst(%dma_wait3A_125 : memref<10112x128xf32, #tpu.memory_space<vmem_shared>>)
        tpu.yield
      }) : () -> ()
      %add3A_106 = arith.constant 2 : i32
      %add3A_107 = arith.addi %add3A_99, %add3A_106 : i32
      %lt3A_108 = arith.constant 40 : i32
      %lt3A_109 = arith.cmpi slt, %add3A_107, %lt3A_108 : i32
      %convert_element_type3A_110 = arith.extui %lt3A_109 : i1 to i32
      %cond3A_111 = arith.constant 0 : i32
      %cond3A_112 = arith.cmpi ne, %convert_element_type3A_110, %cond3A_111 : i32
      scf.if %cond3A_112 {
        %dma_start3A_113 = arith.constant 0 : i32
        %dma_start3A_114 = tpu.memref_slice %arg5[%add3A_107, %dma_start3A_113] : memref<40x128xi32, #tpu.memory_space<vmem>> -> memref<1x128xi32, #tpu.memory_space<vmem>>
        %dma_start3A_115 = tpu.memref_squeeze %dma_start3A_114 : memref<1x128xi32, #tpu.memory_space<vmem>> -> memref<128xi32, #tpu.memory_space<vmem>>
        %dma_start3A_116 = arith.constant 0 : i32
        %dma_start3A_117 = arith.constant 0 : i32
        %dma_start3A_118 = tpu.memref_slice %arg2[%dma_start3A_116, %dma_start3A_117] : memref<10112x128xf32, #tpu.memory_space<hbm>> -> memref<10112x128xf32, #tpu.memory_space<hbm>>
        tpu.enqueue_indirect_dma source(%dma_start3A_118 : memref<10112x128xf32, #tpu.memory_space<hbm>>) target(%arg8 : memref<128x128xf32, #tpu.memory_space<vmem>>) offsets(%dma_start3A_115 : memref<128xi32, #tpu.memory_space<vmem>>) semaphore(%arg11 : memref<!tpu.dma_semaphore, #tpu.memory_space<semaphore_mem>>)
      } else {
      }
    }
    %scan3A_76 = arith.constant 20 : i32
    %barrier3A_77 = arith.constant 0 : index
    tpu.barrier barrier_id(%barrier3A_77)
    %mul3A_78 = arith.constant 632 : i32
    %mul3A_79 = arith.muli %arg1, %mul3A_78 : i32
    %mul3A_80 = arith.constant 632 : i32
    %mul3A_81 = arith.muli %arg1, %mul3A_80 : i32
    "tpu.region"() ({
      %run_scoped3A_82 = tpu.sem_alloc : memref<!tpu.dma_semaphore, #tpu.memory_space<semaphore_mem>>
      %dma_start3A_83 = arith.constant 0 : i32
      %dma_start3A_84 = tpu.memref_slice %arg4[%arg0, %mul3A_81, %dma_start3A_83] : memref<2x10112x128xf32, #tpu.memory_space<hbm>> -> memref<1x632x128xf32, #tpu.memory_space<hbm>>
      %dma_start3A_85 = tpu.memref_squeeze %dma_start3A_84 : memref<1x632x128xf32, #tpu.memory_space<hbm>> -> memref<632x128xf32, #tpu.memory_space<hbm>>
      %dma_start3A_86 = arith.constant 0 : i32
      %dma_start3A_87 = tpu.memref_slice %arg9[%mul3A_79, %dma_start3A_86] : memref<10112x128xf32, #tpu.memory_space<vmem_shared>> -> memref<632x128xf32, #tpu.memory_space<vmem_shared>>
      tpu.enqueue_dma source(%dma_start3A_87 : memref<632x128xf32, #tpu.memory_space<vmem_shared>>) target(%dma_start3A_85 : memref<632x128xf32, #tpu.memory_space<hbm>>) target_semaphore(%run_scoped3A_82 : memref<!tpu.dma_semaphore, #tpu.memory_space<semaphore_mem>>)
      %dma_wait3A = arith.constant 0 : i32
      %dma_wait3A_88 = tpu.memref_slice %arg4[%arg0, %mul3A_81, %dma_wait3A] : memref<2x10112x128xf32, #tpu.memory_space<hbm>> -> memref<1x632x128xf32, #tpu.memory_space<hbm>>
      %dma_wait3A_89 = tpu.memref_squeeze %dma_wait3A_88 : memref<1x632x128xf32, #tpu.memory_space<hbm>> -> memref<632x128xf32, #tpu.memory_space<hbm>>
      %dma_wait3A_90 = arith.constant 0 : i32
      %dma_wait3A_91 = tpu.memref_slice %arg9[%mul3A_79, %dma_wait3A_90] : memref<10112x128xf32, #tpu.memory_space<vmem_shared>> -> memref<632x128xf32, #tpu.memory_space<vmem_shared>>
      tpu.wait_dma2 semaphore(%run_scoped3A_82 : memref<!tpu.dma_semaphore, #tpu.memory_space<semaphore_mem>>) src(%dma_wait3A_91 : memref<632x128xf32, #tpu.memory_space<vmem_shared>>) dst(%dma_wait3A_89 : memref<632x128xf32, #tpu.memory_space<hbm>>)
      tpu.yield
    }) : () -> ()
    return
  }
}

module attributes {stable_mosaic.version = 14 : i64} {
  func.func @_tc_h1_body(%arg0: memref<2x16x10112xf32, #tpu.memory_space<vmem>>, %arg1: memref<10000x128xf32, #tpu.memory_space<vmem>>, %arg2: memref<128x128xf32, #tpu.memory_space<vmem>>, %arg3: memref<2x10112xf32, #tpu.memory_space<vmem>>, %arg4: memref<10112x128xf32, #tpu.memory_space<vmem>>) attributes {dimension_semantics = [], scalar_prefetch = 0 : i64, scratch_operands = 0 : i64, tpu.core_type = #tpu.core_type<tc>} {
    %get3A = arith.constant 0 : index
    %get3A_0 = arith.constant 0 : index
    %get3A_1 = arith.constant 0 : index
    %get3A_2 = vector.load %arg0[%get3A, %get3A_0, %get3A_1] : memref<2x16x10112xf32, #tpu.memory_space<vmem>>, vector<2x16x10112xf32>
    %reduce_sum3A = arith.constant dense<0.000000e+00> : vector<2x10112xf32>
    %reduce_sum3A_3 = vector.multi_reduction <add>, %get3A_2, %reduce_sum3A [1] : vector<2x16x10112xf32> to vector<2x10112xf32>
    %gt3A = arith.constant 0.000000e+00 : f32
    %gt3A_4 = vector.broadcast %gt3A : f32 to vector<2x10112xf32>
    %gt3A_5 = arith.cmpf ogt, %reduce_sum3A_3, %gt3A_4 : vector<2x10112xf32>
    %max3A = arith.constant 1.000000e+00 : f32
    %max3A_6 = vector.broadcast %max3A : f32 to vector<2x10112xf32>
    %max3A_7 = arith.maximumf %reduce_sum3A_3, %max3A_6 : vector<2x10112xf32>
    %rsqrt3A = math.rsqrt %max3A_7 : vector<2x10112xf32>
    %jit3A = arith.constant 0.000000e+00 : f32
    %broadcast_in_dim3A = vector.broadcast %jit3A : f32 to vector<2x10112xf32>
    %select_n3A = arith.select %gt3A_5, %rsqrt3A, %broadcast_in_dim3A : vector<2x10112xi1>, vector<2x10112xf32>
    %swap3A = arith.constant 0 : index
    %swap3A_8 = arith.constant 0 : index
    %swap3A_9 = vector.load %arg3[%swap3A, %swap3A_8] : memref<2x10112xf32, #tpu.memory_space<vmem>>, vector<2x10112xf32>
    tpu.vector_store %arg3[%swap3A, %swap3A_8], %select_n3A {strides = array<i32>} : memref<2x10112xf32, #tpu.memory_space<vmem>>, vector<2x10112xf32>,
    %slice3A = vector.extract_strided_slice %select_n3A {offsets = [0, 0], sizes = [1, 10000], strides = [1, 1]} : vector<2x10112xf32> to vector<1x10000xf32>
    %squeeze3A = vector.shape_cast %slice3A : vector<1x10000xf32> to vector<10000xf32>
    %reshape3A = vector.shape_cast %squeeze3A : vector<10000xf32> to vector<10000x1xf32>
    %get3A_10 = arith.constant 0 : index
    %get3A_11 = arith.constant 0 : index
    %get3A_12 = vector.load %arg1[%get3A_10, %get3A_11] : memref<10000x128xf32, #tpu.memory_space<vmem>>, vector<10000x128xf32>
    %mul3A = vector.broadcast %reshape3A : vector<10000x1xf32> to vector<10000x128xf32>
    %mul3A_13 = arith.mulf %get3A_12, %mul3A : vector<10000x128xf32>
    %get3A_14 = arith.constant 0 : index
    %get3A_15 = arith.constant 0 : index
    %get3A_16 = vector.load %arg2[%get3A_14, %get3A_15] : memref<128x128xf32, #tpu.memory_space<vmem>>, vector<128x128xf32>
    %dot_general3A = arith.constant dense<0.000000e+00> : vector<10000x128xf32>
    %dot_general3A_17 = tpu.matmul %mul3A_13, %get3A_16, %dot_general3A {dimension_numbers = #tpu.dot_dimension_numbers<[1], [0], [0], [1], [0, 0, 1, 1], [], []>, transpose_lhs_hint = false} : vector<10000x128xf32>, vector<128x128xf32>, vector<10000x128xf32> -> vector<10000x128xf32>
    %swap3A_18 = arith.constant 0 : index
    %swap3A_19 = arith.constant 0 : index
    %swap3A_20 = vector.load %arg4[%swap3A_18, %swap3A_19] : memref<10112x128xf32, #tpu.memory_space<vmem>>, vector<10000x128xf32>
    tpu.vector_store %arg4[%swap3A_18, %swap3A_19], %dot_general3A_17 {strides = array<i32>} : memref<10112x128xf32, #tpu.memory_space<vmem>>, vector<10000x128xf32>,
    %broadcast_in_dim3A_21 = arith.constant 0.000000e+00 : f32
    %broadcast_in_dim3A_22 = vector.broadcast %broadcast_in_dim3A_21 : f32 to vector<112x128xf32>
    %swap3A_23 = arith.constant 10000 : index
    %swap3A_24 = arith.constant 0 : index
    %swap3A_25 = vector.load %arg4[%swap3A_23, %swap3A_24] : memref<10112x128xf32, #tpu.memory_space<vmem>>, vector<112x128xf32>
    tpu.vector_store %arg4[%swap3A_23, %swap3A_24], %broadcast_in_dim3A_22 {strides = array<i32>} : memref<10112x128xf32, #tpu.memory_space<vmem>>, vector<112x128xf32>,
    return
  }
}

module attributes {stable_mosaic.version = 14 : i64} {
  func.func @_tc2_body(%arg0: memref<2x10112x128xf32, #tpu.memory_space<vmem>>, %arg1: memref<2x10112xf32, #tpu.memory_space<vmem>>, %arg2: memref<1x128xf32, #tpu.memory_space<vmem>>, %arg3: memref<128x128xf32, #tpu.memory_space<vmem>>, %arg4: memref<10112x128xf32, #tpu.memory_space<vmem>>) attributes {dimension_semantics = [], scalar_prefetch = 0 : i64, scratch_operands = 0 : i64, tpu.core_type = #tpu.core_type<tc>} {
    %get3A = arith.constant 1 : index
    %get3A_0 = arith.constant 0 : index
    %get3A_1 = vector.load %arg1[%get3A, %get3A_0] : memref<2x10112xf32, #tpu.memory_space<vmem>>, vector<1x10112xf32>
    %get3A_2 = vector.shape_cast %get3A_1 : vector<1x10112xf32> to vector<10112xf32>
    %reshape3A = vector.shape_cast %get3A_2 : vector<10112xf32> to vector<10112x1xf32>
    %get3A_3 = arith.constant 0 : index
    %get3A_4 = arith.constant 0 : index
    %get3A_5 = vector.load %arg1[%get3A_3, %get3A_4] : memref<2x10112xf32, #tpu.memory_space<vmem>>, vector<1x10112xf32>
    %get3A_6 = vector.shape_cast %get3A_5 : vector<1x10112xf32> to vector<10112xf32>
    %reshape3A_7 = vector.shape_cast %get3A_6 : vector<10112xf32> to vector<10112x1xf32>
    %get3A_8 = arith.constant 0 : index
    %get3A_9 = arith.constant 0 : index
    %get3A_10 = arith.constant 0 : index
    %get3A_11 = vector.load %arg0[%get3A_8, %get3A_9, %get3A_10] : memref<2x10112x128xf32, #tpu.memory_space<vmem>>, vector<1x10112x128xf32>
    %get3A_12 = vector.shape_cast %get3A_11 : vector<1x10112x128xf32> to vector<10112x128xf32>
    %get3A_13 = arith.constant 1 : index
    %get3A_14 = arith.constant 0 : index
    %get3A_15 = arith.constant 0 : index
    %get3A_16 = vector.load %arg0[%get3A_13, %get3A_14, %get3A_15] : memref<2x10112x128xf32, #tpu.memory_space<vmem>>, vector<1x10112x128xf32>
    %get3A_17 = vector.shape_cast %get3A_16 : vector<1x10112x128xf32> to vector<10112x128xf32>
    %add3A = arith.addf %get3A_12, %get3A_17 : vector<10112x128xf32>
    %mul3A = vector.broadcast %reshape3A : vector<10112x1xf32> to vector<10112x128xf32>
    %mul3A_18 = arith.mulf %add3A, %mul3A : vector<10112x128xf32>
    %get3A_19 = arith.constant 0 : index
    %get3A_20 = arith.constant 0 : index
    %get3A_21 = vector.load %arg2[%get3A_19, %get3A_20] : memref<1x128xf32, #tpu.memory_space<vmem>>, vector<1x128xf32>
    %add3A_22 = vector.broadcast %get3A_21 : vector<1x128xf32> to vector<10112x128xf32>
    %add3A_23 = arith.addf %mul3A_18, %add3A_22 : vector<10112x128xf32>
    %max3A = arith.constant 0.000000e+00 : f32
    %max3A_24 = vector.broadcast %max3A : f32 to vector<10112x128xf32>
    %max3A_25 = arith.maximumf %add3A_23, %max3A_24 : vector<10112x128xf32>
    %mul3A_26 = vector.broadcast %reshape3A_7 : vector<10112x1xf32> to vector<10112x128xf32>
    %mul3A_27 = arith.mulf %max3A_25, %mul3A_26 : vector<10112x128xf32>
    %get3A_28 = arith.constant 0 : index
    %get3A_29 = arith.constant 0 : index
    %get3A_30 = vector.load %arg3[%get3A_28, %get3A_29] : memref<128x128xf32, #tpu.memory_space<vmem>>, vector<128x128xf32>
    %dot_general3A = arith.constant dense<0.000000e+00> : vector<10112x128xf32>
    %dot_general3A_31 = tpu.matmul %mul3A_27, %get3A_30, %dot_general3A {dimension_numbers = #tpu.dot_dimension_numbers<[1], [0], [0], [1], [0, 0, 1, 1], [], []>, transpose_lhs_hint = false} : vector<10112x128xf32>, vector<128x128xf32>, vector<10112x128xf32> -> vector<10112x128xf32>
    %swap3A = arith.constant 0 : index
    %swap3A_32 = arith.constant 0 : index
    %swap3A_33 = vector.load %arg4[%swap3A, %swap3A_32] : memref<10112x128xf32, #tpu.memory_space<vmem>>, vector<10112x128xf32>
    tpu.vector_store %arg4[%swap3A, %swap3A_32], %dot_general3A_31 {strides = array<i32>} : memref<10112x128xf32, #tpu.memory_space<vmem>>, vector<10112x128xf32>,
    return
  }
}

module attributes {stable_mosaic.version = 14 : i64} {
  func.func @_tc3_body(%arg0: memref<2x10112x128xf32, #tpu.memory_space<vmem>>, %arg1: memref<2x10112xf32, #tpu.memory_space<vmem>>, %arg2: memref<1x128xf32, #tpu.memory_space<vmem>>, %arg3: memref<4x128xf32, #tpu.memory_space<vmem>>, %arg4: memref<1x4xf32, #tpu.memory_space<vmem>>, %arg5: memref<1x4xf32, #tpu.memory_space<vmem>>, %arg6: memref<4x10000xf32, #tpu.memory_space<vmem>>) attributes {dimension_semantics = [], scalar_prefetch = 0 : i64, scratch_operands = 0 : i64, tpu.core_type = #tpu.core_type<tc>} {
    %get3A = arith.constant 1 : index
    %get3A_0 = arith.constant 0 : index
    %get3A_1 = vector.load %arg1[%get3A, %get3A_0] : memref<2x10112xf32, #tpu.memory_space<vmem>>, vector<1x10112xf32>
    %get3A_2 = vector.shape_cast %get3A_1 : vector<1x10112xf32> to vector<10112xf32>
    %reshape3A = vector.shape_cast %get3A_2 : vector<10112xf32> to vector<10112x1xf32>
    %get3A_3 = arith.constant 0 : index
    %get3A_4 = arith.constant 0 : index
    %get3A_5 = arith.constant 0 : index
    %get3A_6 = vector.load %arg0[%get3A_3, %get3A_4, %get3A_5] : memref<2x10112x128xf32, #tpu.memory_space<vmem>>, vector<1x10112x128xf32>
    %get3A_7 = vector.shape_cast %get3A_6 : vector<1x10112x128xf32> to vector<10112x128xf32>
    %get3A_8 = arith.constant 1 : index
    %get3A_9 = arith.constant 0 : index
    %get3A_10 = arith.constant 0 : index
    %get3A_11 = vector.load %arg0[%get3A_8, %get3A_9, %get3A_10] : memref<2x10112x128xf32, #tpu.memory_space<vmem>>, vector<1x10112x128xf32>
    %get3A_12 = vector.shape_cast %get3A_11 : vector<1x10112x128xf32> to vector<10112x128xf32>
    %add3A = arith.addf %get3A_7, %get3A_12 : vector<10112x128xf32>
    %mul3A = vector.broadcast %reshape3A : vector<10112x1xf32> to vector<10112x128xf32>
    %mul3A_13 = arith.mulf %add3A, %mul3A : vector<10112x128xf32>
    %get3A_14 = arith.constant 0 : index
    %get3A_15 = arith.constant 0 : index
    %get3A_16 = vector.load %arg2[%get3A_14, %get3A_15] : memref<1x128xf32, #tpu.memory_space<vmem>>, vector<1x128xf32>
    %add3A_17 = vector.broadcast %get3A_16 : vector<1x128xf32> to vector<10112x128xf32>
    %add3A_18 = arith.addf %mul3A_13, %add3A_17 : vector<10112x128xf32>
    %max3A = arith.constant 0.000000e+00 : f32
    %max3A_19 = vector.broadcast %max3A : f32 to vector<10112x128xf32>
    %max3A_20 = arith.maximumf %add3A_18, %max3A_19 : vector<10112x128xf32>
    %slice3A = vector.extract_strided_slice %max3A_20 {offsets = [0, 0], sizes = [10000, 128], strides = [1, 1]} : vector<10112x128xf32> to vector<10000x128xf32>
    %get3A_21 = arith.constant 0 : index
    %get3A_22 = arith.constant 0 : index
    %get3A_23 = vector.load %arg3[%get3A_21, %get3A_22] : memref<4x128xf32, #tpu.memory_space<vmem>>, vector<4x128xf32>
    %dot_general3A = arith.constant dense<0.000000e+00> : vector<4x10000xf32>
    %dot_general3A_24 = tpu.matmul %get3A_23, %slice3A, %dot_general3A {dimension_numbers = #tpu.dot_dimension_numbers<[1], [1], [0], [0], [0, 0, 1, 0], [], []>, transpose_lhs_hint = false} : vector<4x128xf32>, vector<10000x128xf32>, vector<4x10000xf32> -> vector<4x10000xf32>
    %swap3A = arith.constant 0 : index
    %swap3A_25 = arith.constant 0 : index
    %swap3A_26 = vector.load %arg6[%swap3A, %swap3A_25] : memref<4x10000xf32, #tpu.memory_space<vmem>>, vector<4x10000xf32>
    tpu.vector_store %arg6[%swap3A, %swap3A_25], %dot_general3A_24 {strides = array<i32>} : memref<4x10000xf32, #tpu.memory_space<vmem>>, vector<4x10000xf32>,
    %reduce_sum3A = arith.constant dense<0.000000e+00> : vector<128xf32>
    %reduce_sum3A_27 = vector.multi_reduction <add>, %slice3A, %reduce_sum3A [0] : vector<10000x128xf32> to vector<128xf32>
    %broadcast_in_dim3A = vector.shape_cast %reduce_sum3A_27 : vector<128xf32> to vector<1x128xf32>
    %mul3A_28 = arith.constant 9.99999974E-5 : f32
    %mul3A_29 = vector.broadcast %mul3A_28 : f32 to vector<1x128xf32>
    %mul3A_30 = arith.mulf %broadcast_in_dim3A, %mul3A_29 : vector<1x128xf32>
    %dot_general3A_31 = arith.constant dense<0.000000e+00> : vector<1x4xf32>
    %dot_general3A_32 = tpu.matmul %mul3A_30, %get3A_23, %dot_general3A_31 {dimension_numbers = #tpu.dot_dimension_numbers<[1], [1], [0], [0], [0, 0, 1, 0], [], []>, transpose_lhs_hint = false} : vector<1x128xf32>, vector<4x128xf32>, vector<1x4xf32> -> vector<1x4xf32>
    %get3A_33 = arith.constant 0 : index
    %get3A_34 = arith.constant 0 : index
    %get3A_35 = vector.load %arg4[%get3A_33, %get3A_34] : memref<1x4xf32, #tpu.memory_space<vmem>>, vector<1x4xf32>
    %add3A_36 = arith.addf %dot_general3A_32, %get3A_35 : vector<1x4xf32>
    %swap3A_37 = arith.constant 0 : index
    %swap3A_38 = arith.constant 0 : index
    %swap3A_39 = vector.load %arg5[%swap3A_37, %swap3A_38] : memref<1x4xf32, #tpu.memory_space<vmem>>, vector<1x4xf32>
    tpu.vector_store %arg5[%swap3A_37, %swap3A_38], %add3A_36 {strides = array<i32>} : memref<1x4xf32, #tpu.memory_space<vmem>>, vector<1x4xf32>,
    return
  }
}

</mosaic_0001>

<sc_bundles>
// kernel: kernel.11.cloned.1.call-start
scs
__scs_entry_jumppad:
0x0: {  	(pc) =	sbr.rel $0x88, $3  }
0x1: {  	(tag) =	ssettag $0x0;
	lr =	simm.s32 $0x1  }
0x2: {  	[smem:$0x3F99] =	sst lr;
	_ =	strace $0xD0000000  }
0x3: {  	_ = 	snop  }
0x4: {  	_ = 	snop  }
0x5: {  	_ = 	snop  }
0x6: {  	_ = 	snop  }
0x7: {  	_ = 	snop  }
__scs_overlays_trampoline_lowered:
0x8: {  	[smem:$0x3FA8] =	sst s0  }
0x9: {  	[smem:$0x3FA9] =	sst s1  }
0xa: {  	[smem:$0x3FAA] =	sst s2  }
0xb: {  	[smem:$0x3FAB] =	sst s3  }
0xc: {  	[smem:$0x3FAC] =	sst s4  }
0xd: {  	[smem:$0x3FAD] =	sst s5  }
0xe: {  	[smem:$0x3FAE] =	sst s6  }
0xf: {  	[smem:$0x3FAF] =	sst s7  }
0x10: {  	[smem:$0x3FB0] =	sst s8  }
0x11: {  	[smem:$0x3FB1] =	sst s9;
	s0 =	simm.s32 @!p0 $0x0  }
0x12: {  	s1 =	sld [smem:$0x3F97];
	s0 =	simm.s32 @p0 $0x1  }
0x13: {  	[smem:$0x3FB2] =	sst s0;
	s0 =	simm.s32 @!p1 $0x0  }
0x14: {  	s2 =	sld [smem:$0x3F96];
	s0 =	simm.s32 @p1 $0x1  }
0x15: {  	[smem:$0x3FB3] =	sst s0;
	s0 =	simm.s32 @!p2 $0x0  }
0x16: {  	s3 =	sld [smem:$0x3FDB];
	s0 =	simm.s32 @p2 $0x1  }
0x17: {  	s4 =	simm.s32 $0x1BF5;
	[smem:$0x3FB5] =	sst s0  }
0x18: {  	s0 =	sld [smem:$0x3F98];
	_ =	swait.ge [sflag:s4], $0x0  }
0x19: {  	s7 =	sld [smem:$0x3F99]  }
0x1a: {  	s8 =	sadd.s32 $0xFFFFE003, lr  }
0x1b: {  	s9 =	sadd.s32 $0xFFFFFEF7, lr;
	s5 =	simm.s32 $0xFFFFFFFF;
	p2 =	slt.u32 s8, $0xFFFFF086  }
0x1c: {  	p1 =	slt.u32 s9, $0xF7A;
	s5 =	simm.s32 @!p2 $0x0  }
0x1d: {  	s5 =	simm.s32 @p1 $0x1;
	p0 =	seq.s32 s7, s2  }
0x1e: {  	s7 =	smul.u32 @!p0 $0xF7A, s2;
	p2 =	seq.s32 @!p0 s5, $0x0  }
0x1f: {  	s9 =	smul.u32 $0xF7A, s1;
	s8 =	simm.s32 @!p0 $0x1BF5;
	p2 =	por !p2, p0  }
0x20: {  	[sflag:s8] =	ssyncset.s32 @!p0 $0xFFFFF086;
	s6 =	sadd.s32 @!p0 s3, s7;
	s7 =	simm.s32 @!p0 $0x108  }
0x21: {  	s3 =	sadd.s32 s3, s9;
	s6 =	sadd.s32 @!p0 $0x88, s6;
	s7 =	simm.s32 @p2 $0x1082  }
0x22: {  	[simem:s7], [sflag:s8] =	dma.local @!p0 [hbm:s6], $0xF7A  }
0x23: {  	s9 =	sor.u32 $0xD0000000, s2;
	s6 =	simm.s32 $0x108;
	_ =	swait.ge @!p0 [sflag:s8], $0x0  }
0x24: {  	s3 =	sadd.s32 $0x88, s3;
	s6 =	simm.s32 @!p1 $0x1082;
	[sflag:s4] =	ssyncset.s32 $0xFFFFF086  }
0x25: {  	[simem:s6], [sflag:s4] =	dma.local [hbm:s3], $0xF7A  }
0x26: {  	[smem:$0x3F99] =	sst s1;
	(tag) =	ssettag s2;
	_ =	strace s9  }
0x27: {  	s1 =	sld [smem:$0x3FA9]  }
0x28: {  	s2 =	sld [smem:$0x3FAA]  }
0x29: {  	s4 =	sld [smem:$0x3FAC]  }
0x2a: {  	p0 =	seq.s32 s5, $0x0;
	s5 =	sld [smem:$0x3FAD]  }
0x2b: {  	s6 =	sld [smem:$0x3FAE]  }
0x2c: {  	s7 =	sld [smem:$0x3FAF]  }
0x2d: {  	s3 =	simm.s32 $0x108;
	s8 =	sld [smem:$0x3FB0]  }
0x2e: {  	s3 =	simm.s32 @!p0 $0x1082;
	s9 =	sld [smem:$0x3FB1]  }
0x2f: {  	lr =	sadd.s32 s0, s3;
	s0 =	sld [smem:$0x3FA8]  }
0x30: {  	s3 =	sld [smem:$0x3FAB]  }
0x31: {  	[smem:$0x3FB4] =	sst s10  }
0x32: {  	s10 =	sld [smem:$0x3FB2];
	_ =	sdelay $0x3  }
0x33: {  	p0 =	seq.s32 s10, $0x1;
	s10 =	sld [smem:$0x3FB4];
	_ =	sdelay $0x3  }
0x34: {  	[smem:$0x3FB4] =	sst s10  }
0x35: {  	s10 =	sld [smem:$0x3FB3];
	_ =	sdelay $0x3  }
0x36: {  	p1 =	seq.s32 s10, $0x1;
	s10 =	sld [smem:$0x3FB4];
	_ =	sdelay $0x3  }
0x37: {  	[smem:$0x3FB4] =	sst s10  }
0x38: {  	s10 =	sld [smem:$0x3FB5]  }
0x39: {  	_ = 	snop;
	(pc) =	sbr.ind lr, $3  }
0x3a: {  	_ = 	snop  }
0x3b: {  	_ = 	snop  }
0x3c: {  	p2 =	seq.s32 s10, $0x1;
	s10 =	sld [smem:$0x3FB4]  }
0x3d: {  	_ =	shalt  }
0x3e: {  	_ =	shalt  }
0x3f: {  	_ =	shalt  }
0x40: {  	_ =	shalt  }
0x41: {  	_ =	shalt  }
0x42: {  	_ =	shalt  }
0x43: {  	_ =	shalt  }
0x44: {  	_ =	shalt  }
0x45: {  	_ =	shalt  }
0x46: {  	_ =	shalt  }
0x47: {  	_ =	shalt  }
0x48: {  	_ =	shalt  }
0x49: {  	_ =	shalt  }
0x4a: {  	_ =	shalt  }
0x4b: {  	_ =	shalt  }
0x4c: {  	_ =	shalt  }
0x4d: {  	_ =	shalt  }
0x4e: {  	_ =	shalt  }
0x4f: {  	_ =	shalt  }
0x50: {  	_ =	shalt  }
0x51: {  	_ =	shalt  }
0x52: {  	_ =	shalt  }
0x53: {  	_ =	shalt  }
0x54: {  	_ =	shalt  }
0x55: {  	_ =	shalt  }
0x56: {  	_ =	shalt  }
0x57: {  	_ =	shalt  }
0x58: {  	_ =	shalt  }
0x59: {  	_ =	shalt  }
0x5a: {  	_ =	shalt  }
0x5b: {  	_ =	shalt  }
0x5c: {  	_ =	shalt  }
0x5d: {  	_ =	shalt  }
0x5e: {  	_ =	shalt  }
0x5f: {  	_ =	shalt  }
0x60: {  	_ =	shalt  }
0x61: {  	_ =	shalt  }
0x62: {  	_ =	shalt  }
0x63: {  	_ =	shalt  }
0x64: {  	_ =	shalt  }
0x65: {  	_ =	shalt  }
0x66: {  	_ =	shalt  }
0x67: {  	_ =	shalt  }
0x68: {  	_ =	shalt  }
0x69: {  	_ =	shalt  }
0x6a: {  	_ =	shalt  }
0x6b: {  	_ =	shalt  }
0x6c: {  	_ =	shalt  }
0x6d: {  	_ =	shalt  }
0x6e: {  	_ =	shalt  }
0x6f: {  	_ =	shalt  }
0x70: {  	_ =	shalt  }
0x71: {  	_ =	shalt  }
0x72: {  	_ =	shalt  }
0x73: {  	_ =	shalt  }
0x74: {  	_ =	shalt  }
0x75: {  	_ =	shalt  }
0x76: {  	_ =	shalt  }
0x77: {  	_ =	shalt  }
0x78: {  	_ =	shalt  }
0x79: {  	_ =	shalt  }
0x7a: {  	_ =	shalt  }
0x7b: {  	_ =	shalt  }
0x7c: {  	_ =	shalt  }
0x7d: {  	_ =	shalt  }
0x7e: {  	_ =	shalt  }
0x7f: {  	_ =	shalt  }
0x80: {  	_ =	shalt  }
0x81: {  	_ =	shalt  }
0x82: {  	_ =	shalt  }
0x83: {  	_ =	shalt  }
0x84: {  	_ =	shalt  }
0x85: {  	_ =	shalt  }
0x86: {  	_ =	shalt  }
0x87: {  	_ =	shalt  }
.Lfunc_end0:
.L_simem_size_0:
called_computation.1_lowered:
.L_overlay_start_0:
0x88: {  	s2 =	sld [smem:$0x3FD9]  }
0x89: {  	s3 =	sld [smem:$0x3FFE];
	_ =	sdelay $0x1  }
0x8a: {  	s1 =	srdreg.scid  }
0x8b: {  	s0 =	sand.u32 $0x1, s1  }
0x8c: {  	s16 =	sshll.u32 s0, $0xA;
	s2 =	sadd.s32 s3, s2  }
0x8d: {  	s2 =	sadd.s32 s2, s16  }
0x8e: {  	[smem:$0x3FC0] =	sst s2  }
0x8f: {  	_ = 	snop  }
0x90: {  	(tm) =	ssettm $0x1  }
0x91: {  	s17 =	sld [smem:$0x3FFB];
	_ =	sdelay $0x3  }
0x92: {  	_ =	strace s17  }
0x93: {  	s2 =	sld [smem:$0x3FFC];
	_ =	sdelay $0x3  }
0x94: {  	_ =	strace s2  }
0x95: {  	s2 =	sld [smem:$0x3FFD];
	_ =	sdelay $0x3  }
0x96: {  	_ =	strace s2  }
0x97: {  	_ =	strace $0x8FFFFFFF  }
0x98: {  	s18 =	sld [smem:$0x3FDB];
	_ =	sdelay $0x1  }
0x99: {  	s19 =	simm.s32 $_scs_section_size  }
0x9a: {  	s4 =	simm.s32 $_size__tile_overlayer_lowered;
	s5 =	simm.s32 $_tile_overlayer_lowered  }
0x9b: {  	s22 =	simm.s32 $0x1BFF;
	s21 =	sshll.u32 s5, $0x1;
	s2 =	sadd.s32 s19, s18  }
0x9c: {  	s6 =	simm.s32 $0x0;
	s20 =	sshll.u32 s4, $0x1;
	s4 =	sadd.s32 s21, s2  }
0x9d: {  	[timem:s6], [sflag:s22] =	dma.local [hbm:s4], s20  }
0x9e: {  	_ =	swait.ge [sflag:s22], s20  }
0x9f: {  	s3 =	ssub.s32 $0x0, s20;
	[sflag:s22] =	ssyncset.done $0x0  }
0xa0: {  	[sflag:s22] =	ssyncadd.s32 s3;
	_ =	sdelay $0x1  }
0xa1: {  	s23 =	simm.s32 $0x1B8B  }
0xa2: {  	_ =	swait.ge [sflag:s23], $0x1  }
0xa3: {  	[sflag:s23] =	ssyncset.done $0x0  }
0xa4: {  	s25 =	simm.s32 $0x1B8E;
	s24 =	sld [smem:$0x3FFE];
	[sflag:s23] =	ssyncadd.s32 $0xFFFFFFFF  }
0xa5: {  	s26 =	simm.s32 $execute0_lowered;
	[smem:$0x3FD2] =	sst s25  }
0xa6: {  	s4 =	sshll.u32 s26, $0x1;
	_ =	strace $0x80000049;
	[dreg:$0x1] =	wrdreg $0xFFFFFFFF  }
0xa7: {  	s28 =	simm.s32 $_size_execute0_lowered;
	s2 =	sadd.s32 s2, s4;
	[dreg:$0x0] =	wrdreg $0x0  }
0xa8: {  	s4 =	sshll.u32 s28, $0x1;
	[dreg:$0x2] =	wrdreg s2  }
0xa9: {  	[dreg:$0x3] =	wrdreg s4  }
0xaa: {  	[dreg:$0x4] =	wrdreg $0xC0  }
0xab: {  	_ =	task [dreg:s6], $0x5FFFF  }
0xac: {  	[dreg:$0x1] =	wrdreg $0xFFFFFFFF  }
0xad: {  	[dreg:$0x0] =	wrdreg $0x60  }
0xae: {  	[dreg:$0x2] =	wrdreg s24  }
0xaf: {  	[dreg:$0x3] =	wrdreg $0xA8000  }
0xb0: {  	[dreg:$0x4] =	wrdreg $0x9  }
0xb1: {  	_ =	task.clear_ibuf [dreg:s6], $0x5FFFF;
	_ =	strace $0x90000049  }
0xb2: {  	s29 =	simm.s32 $0x9;
	_ =	strace $0x8000004B  }
0xb3: {  	_ =	swait.ge [sflag:s29], $0x1  }
0xb4: {  	[sflag:s29] =	ssyncadd.s32 $0xFFFFFFFF  }
0xb5: {  	_ =	strace $0x9000004B  }
0xb6: {  	_ =	sfence  }
0xb7: {  	s30 =	sld [smem:$0x0];
	_ =	sdelay $0x2  }
0xb8: {  	s31 =	sshll.u32 s1, $0xD;
	s1 =	sshrl.u32 s1, $0x2  }
0xb9: {  	s3 =	sand.u32 $0x4000, s31;
	s1 =	sadd.s32 s1, s30  }
0xba: {  	s0 =	sor.u32 s3, s0;
	s1 =	sshll.u32 s1, $0x11  }
0xbb: {  	s0 =	sor.u32 s1, s0  }
0xbc: {  	s0 =	sadd.s32 $0x8F2B, s0  }
0xbd: {  	[sflag:s0] =	ssyncadd.remote.s32 $0x1  }
0xbe: {  	_ =	sfence.sel $0xFFFF  }
0xbf: {  	[dreg:$0x0] =	wrdreg $0xFFFFFFFF;
	(pc) =	sbr.abs _section_cstart, $3  }
0xc0: {  	[dreg:$0x1] =	wrdreg $0xFFFFFFFF  }
0xc1: {  	_ =	task.clear_ibuf [dreg:s6], $0x2FFFF;
	_ =	strace $0x9FFFFFFF  }
0xc2: {  	(tm) =	ssettm $0x7FFFFFFF  }
0xc3: {  	_ =	shalt  }
tec
execute0_lowered:
.L_overlay_start_1:
0x0: {  	(tag) =	ssettag $0x1  }
0x1: {  	s6 =	rddreg [dreg:$0x0]  }
0x2: {  	s0 =	srdreg.scid;
	s2 =	rddreg [dreg:$0x1]  }
0x3: {  	s3 =	simm.s32 $0x0;
	s16 =	simm.s32 $0x2800;
	s17 =	simm.s32 $0x3  }
0x4: {  	s18 =	simm.s32 $0x1400;
	s19 =	simm.s32 $0x80;
	s20 =	simm.s32 $0x6800  }
0x5: {  	s21 =	simm.s32 $0x1;
	s22 =	simm.s32 $0x2;
	s5 =	sand.u32 $0x1, s0  }
0x6: {  	s23 =	simm.s32 $0x2700;
	s0 =	stileid.u32;
	s7 =	smul.u32 $0x13C000, s5  }
0x7: {  	s24 =	simm.s32 $0x2780;
	s1 =	sshll.u32 s5, $0x4;
	s8 =	smul.u32 $0x13C00, s0  }
0x8: {  	s10 =	smul.u32 $0x4F000, s0;
	s29 =	ssub.s32 $0x2, s5;
	s1 =	sor.u32 s0, s1  }
0x9: {  	[smem:$0x7FF] =	sst s3;
	s31 =	sshrl.u32 s29, $0x1;
	s4 =	smul.u32 $0x2800, s1  }
0xa: {  	s1 =	rddreg [dreg:$0x2];
	_ =	strace $0x8000004A;
	s7 =	sadd.s32 s8, s7  }
0xb: {  	s30 =	sshrl.u32 s10, $0x2;
	s15 =	ssub.s32 s29, s31;
	s7 =	sshrl.u32 s7, $0x3  }
0xc: {  	s5 =	sadd.s32 s30, s2;
	s15 =	smax.u32 s15, $0x1;
	s9 =	sshrl.u32 s4, $0x3  }
0xd: {  	s4 =	sadd.s32 $0x16C00, s6;
	s14 =	sadd.s32 s7, s6;
	s7 =	sadd.s32 $0x8000, s5  }
0xe: {  	s8 =	sadd.s32 $0xC000, s5;
	s13 =	sadd.s32 s9, s6;
	s6 =	sadd.s32 $0x4000, s5  }
0xf: {  	s9 =	sadd.s32 $0x10000, s5;
	s14 =	sadd.s32 $0x3E400, s14;
	s10 =	sadd.s32 $0x2C00, s13  }
0x10: {  	v0 =	vimm.f32 $0.0e+00;
	s11 =	sadd.s32 $0xCC00, s13;
	s12 =	sadd.s32 $0x2E80, s13;
	s13 =	sadd.s32 $0xCE80, s13  }
.LBB2_1:
0x11: {  	s25 =	simm.s32 $0x0;
	s26 =	simm.s32 $0x200  }
.LBB2_2:
0x12: {  	p0 =	sne.s32 s26, $0xFE00;
	[tilespmem:s25+$0x2870] =	vst v0  }
0x13: {  	[tilespmem:s25+$0x2800] =	vst v0  }
0x14: {  	[tilespmem:s25+$0x2810] =	vst v0  }
.Ltmp0:
0x15: {  	[tilespmem:s25+$0x2820] =	vst v0;
	(pc) =	sbr.rel @p0 .LBB2_2-.Ltmp0, $4  }
0x16: {  	[tilespmem:s25+$0x2830] =	vst v0  }
0x17: {  	[tilespmem:s25+$0x2840] =	vst v0  }
0x18: {  	[tilespmem:s25+$0x2850] =	vst v0  }
0x19: {  	[tilespmem:s25+$0x2860] =	vst v0;
	s25 =	sshra.s32 s26, $0x2;
	s26 =	sadd.s32 $0x200, s26  }
0x1a: {  	[tilespmem:s25+$0x2870] =	vst v0  }
0x1b: {  	[tilespmem:s25+$0x2800] =	vst v0  }
0x1c: {  	[tilespmem:s25+$0x2810] =	vst v0  }
0x1d: {  	[tilespmem:s25+$0x2820] =	vst v0  }
0x1e: {  	[tilespmem:s25+$0x2830] =	vst v0  }
0x1f: {  	[tilespmem:s25+$0x2840] =	vst v0  }
0x20: {  	[tilespmem:s25+$0x2850] =	vst v0  }
0x21: {  	[tilespmem:s25+$0x2860] =	vst v0  }
0x22: {  	[spmem:s5] =	stream.linear.scatter [tilespmem:s16], [sflag:$0x3], $0x4000, $0x38;
	[tilespmem:$0x1E400] =	vst v63  }
0x23: {  	_ =	swait.ge [sflag:s17], $0x4000  }
0x24: {  	[sflag:s17] =	ssyncset.done $0x0  }
0x25: {  	[sflag:s17] =	ssyncadd.s32 $0xFFFFC000  }
0x26: {  	[spmem:s6] =	stream.linear.scatter [tilespmem:s16], [sflag:$0x3], $0x4000, $0x38;
	[tilespmem:$0x1E400] =	vst v63  }
0x27: {  	_ =	swait.ge [sflag:s17], $0x4000  }
0x28: {  	[sflag:s17] =	ssyncset.done $0x0  }
0x29: {  	[sflag:s17] =	ssyncadd.s32 $0xFFFFC000  }
0x2a: {  	[spmem:s7] =	stream.linear.scatter [tilespmem:s16], [sflag:$0x3], $0x4000, $0x38;
	[tilespmem:$0x1E400] =	vst v63  }
0x2b: {  	_ =	swait.ge [sflag:s17], $0x4000  }
0x2c: {  	[sflag:s17] =	ssyncset.done $0x0  }
0x2d: {  	[sflag:s17] =	ssyncadd.s32 $0xFFFFC000  }
0x2e: {  	[spmem:s8] =	stream.linear.scatter [tilespmem:s16], [sflag:$0x3], $0x4000, $0x38;
	[tilespmem:$0x1E400] =	vst v63  }
0x2f: {  	_ =	swait.ge [sflag:s17], $0x4000  }
0x30: {  	[sflag:s17] =	ssyncset.done $0x0  }
0x31: {  	[sflag:s17] =	ssyncadd.s32 $0xFFFFC000  }
0x32: {  	[spmem:s9] =	stream.linear.scatter [tilespmem:s16], [sflag:$0x3], $0x3C00, $0x38;
	[tilespmem:$0x1E400] =	vst v63  }
0x33: {  	_ =	swait.ge [sflag:s17], $0x3C00  }
0x34: {  	[sflag:s17] =	ssyncset.done $0x0  }
0x35: {  	[sflag:s17] =	ssyncadd.s32 $0xFFFFC400  }
0x36: {  	s28 =	simm.s32 $0x0;
	[bflag:$0x0] =	sbarrier.arrive $0xFFFF  }
0x37: {  	[tilespmem:s28], [sflag:$0x3] =	stream.linear.gather [hbm4b:s10+s28], $0x1400, $0x38;
	[tilespmem:$0x1E400] =	vst v63  }
0x38: {  	_ =	swait.ge [sflag:s17], $0x1400  }
0x39: {  	[sflag:s17] =	ssyncset.done $0x0  }
0x3a: {  	[sflag:s17] =	ssyncadd.s32 $0xFFFFEC00  }
0x3b: {  	[tilespmem:s18], [sflag:$0x3] =	stream.linear.gather [hbm4b:s11+s28], $0x1400, $0x38;
	[tilespmem:$0x1E400] =	vst v63  }
0x3c: {  	_ =	swait.ge [sflag:s17], $0x1400  }
0x3d: {  	[sflag:s17] =	ssyncset.done $0x0  }
0x3e: {  	[sflag:s17] =	ssyncadd.s32 $0xFFFFEC00  }
0x3f: {  	[tilespmem:s16], [sflag:$0x1] =	stream.indirect.gather [hbm4b:s4+s19], $0x80, s28, s19, $0xb8;
	[tilespmem:$0x1E400] =	vst v63  }
0x40: {  	_ = 	snop  }
0x41: {  	[tilespmem:s20], [sflag:$0x2] =	stream.indirect.gather [hbm4b:s4+s19], $0x80, s19, s19, $0xb8;
	[tilespmem:$0x1E400] =	vst v63  }
0x42: {  	_ =	swait.ge [sflag:s21], $0x4000  }
0x43: {  	[sflag:s21] =	ssyncset.done $0x0  }
0x44: {  	s29 =	simm.s32 $0x1400;
	[sflag:s21] =	ssyncadd.s32 $0xFFFFC000  }
0x45: {  	[spmem:s2] =	stream.indirect.scatter.add.f32 [tilespmem:s16], [sflag:$0x3], $0x80, s29, s19, $0xb8;
	[tilespmem:$0x1E400] =	vst v63  }
0x46: {  	_ =	swait.ge [sflag:s17], $0x4000  }
0x47: {  	[sflag:s17] =	ssyncset.done $0x0  }
0x48: {  	s30 =	simm.s32 $0x100;
	[sflag:s17] =	ssyncadd.s32 $0xFFFFC000  }
0x49: {  	[tilespmem:s16], [sflag:$0x1] =	stream.indirect.gather [hbm4b:s4+s19], $0x80, s30, s19, $0xb8;
	[tilespmem:$0x1E400] =	vst v63  }
0x4a: {  	_ =	swait.ge [sflag:s22], $0x4000  }
0x4b: {  	[sflag:s22] =	ssyncset.done $0x0  }
0x4c: {  	s31 =	simm.s32 $0x1480;
	[sflag:s22] =	ssyncadd.s32 $0xFFFFC000  }
0x4d: {  	[spmem:s2] =	stream.indirect.scatter.add.f32 [tilespmem:s20], [sflag:$0x3], $0x80, s31, s19, $0xb8;
	[tilespmem:$0x1E400] =	vst v63  }
0x4e: {  	_ =	swait.ge [sflag:s17], $0x4000  }
0x4f: {  	[sflag:s17] =	ssyncset.done $0x0  }
0x50: {  	s25 =	simm.s32 $0x400;
	s26 =	simm.s32 $0x180;
	[sflag:s17] =	ssyncadd.s32 $0xFFFFC000  }
.LBB2_4:
0x51: {  	[tilespmem:s20], [sflag:$0x2] =	stream.indirect.gather [hbm4b:s4+s19], $0x80, s26, s19, $0xb8;
	[tilespmem:$0x1E400] =	vst v63  }
0x52: {  	s26 =	smov.u32 s25  }
0x53: {  	p0 =	sne.s32 s25, $0x4800;
	s25 =	sadd.s32 $0x400, s25;
	_ =	swait.ge [sflag:s21], $0x4000  }
0x54: {  	s26 =	sshra.s32 s26, $0x2;
	[sflag:s21] =	ssyncset.done $0x0  }
0x55: {  	s28 =	sadd.s32 $0x1400, s26;
	[sflag:s21] =	ssyncadd.s32 $0xFFFFC000  }
0x56: {  	[spmem:s2] =	stream.indirect.scatter.add.f32 [tilespmem:s16], [sflag:$0x3], $0x80, s28, s19, $0xb8;
	[tilespmem:$0x1E400] =	vst v63  }
0x57: {  	_ =	swait.ge [sflag:s17], $0x4000  }
0x58: {  	[sflag:s17] =	ssyncset.done $0x0  }
0x59: {  	s28 =	sadd.s32 $0x100, s26;
	[sflag:s17] =	ssyncadd.s32 $0xFFFFC000  }
0x5a: {  	[tilespmem:s16], [sflag:$0x1] =	stream.indirect.gather [hbm4b:s4+s19], $0x80, s28, s19, $0xb8;
	[tilespmem:$0x1E400] =	vst v63  }
0x5b: {  	_ =	swait.ge [sflag:s22], $0x4000  }
0x5c: {  	[sflag:s22] =	ssyncset.done $0x0  }
.Ltmp1:
0x5d: {  	s28 =	sadd.s32 $0x1480, s26;
	[sflag:s22] =	ssyncadd.s32 $0xFFFFC000;
	(pc) =	sbr.rel @p0 .LBB2_4-.Ltmp1, $4  }
0x5e: {  	[spmem:s2] =	stream.indirect.scatter.add.f32 [tilespmem:s20], [sflag:$0x3], $0x80, s28, s19, $0xb8;
	[tilespmem:$0x1E400] =	vst v63  }
0x5f: {  	_ =	swait.ge [sflag:s17], $0x4000  }
0x60: {  	[sflag:s17] =	ssyncset.done $0x0  }
0x61: {  	s26 =	sadd.s32 $0x180, s26;
	[sflag:s17] =	ssyncadd.s32 $0xFFFFC000  }
0x62: {  	[tilespmem:s20], [sflag:$0x2] =	stream.indirect.gather [hbm4b:s4+s19], $0x80, s26, s19, $0xb8;
	[tilespmem:$0x1E400] =	vst v63  }
0x63: {  	_ =	swait.ge [sflag:s21], $0x4000  }
0x64: {  	[sflag:s21] =	ssyncset.done $0x0  }
0x65: {  	[sflag:s21] =	ssyncadd.s32 $0xFFFFC000  }
0x66: {  	[spmem:s2] =	stream.indirect.scatter.add.f32 [tilespmem:s16], [sflag:$0x3], $0x80, s23, s19, $0xb8;
	[tilespmem:$0x1E400] =	vst v63  }
0x67: {  	_ =	swait.ge [sflag:s17], $0x4000  }
0x68: {  	[sflag:s17] =	ssyncset.done $0x0  }
0x69: {  	[sflag:s17] =	ssyncadd.s32 $0xFFFFC000  }
0x6a: {  	_ =	swait.ge [sflag:s22], $0x4000  }
0x6b: {  	[sflag:s22] =	ssyncset.done $0x0  }
0x6c: {  	[sflag:s22] =	ssyncadd.s32 $0xFFFFC000  }
0x6d: {  	[spmem:s2] =	stream.indirect.scatter.add.f32 [tilespmem:s20], [sflag:$0x3], $0x80, s24, s19, $0xb8;
	[tilespmem:$0x1E400] =	vst v63  }
0x6e: {  	_ =	swait.ge [sflag:s17], $0x4000  }
0x6f: {  	[sflag:s17] =	ssyncset.done $0x0  }
0x70: {  	s25 =	simm.s32 $0x0;
	[sflag:s17] =	ssyncadd.s32 $0xFFFFC000  }
0x71: {  	[tilespmem:s25], [sflag:$0x3] =	stream.linear.gather [hbm4b:s12+s25], $0x1400, $0x38;
	[tilespmem:$0x1E400] =	vst v63  }
0x72: {  	_ =	swait.ge [sflag:s17], $0x1400  }
0x73: {  	[sflag:s17] =	ssyncset.done $0x0  }
0x74: {  	[sflag:s17] =	ssyncadd.s32 $0xFFFFEC00  }
0x75: {  	[tilespmem:s18], [sflag:$0x3] =	stream.linear.gather [hbm4b:s13+s25], $0x1400, $0x38;
	[tilespmem:$0x1E400] =	vst v63  }
0x76: {  	_ =	swait.ge [sflag:s17], $0x1400  }
0x77: {  	[sflag:s17] =	ssyncset.done $0x0  }
0x78: {  	[sflag:s17] =	ssyncadd.s32 $0xFFFFEC00  }
0x79: {  	[tilespmem:s16], [sflag:$0x1] =	stream.indirect.gather [hbm4b:s4+s19], $0x80, s25, s19, $0xb8;
	[tilespmem:$0x1E400] =	vst v63  }
0x7a: {  	_ = 	snop  }
0x7b: {  	[tilespmem:s20], [sflag:$0x2] =	stream.indirect.gather [hbm4b:s4+s19], $0x80, s19, s19, $0xb8;
	[tilespmem:$0x1E400] =	vst v63  }
0x7c: {  	_ =	swait.ge [sflag:s21], $0x4000  }
0x7d: {  	[sflag:s21] =	ssyncset.done $0x0  }
0x7e: {  	s29 =	simm.s32 $0x1400;
	[sflag:s21] =	ssyncadd.s32 $0xFFFFC000  }
0x7f: {  	[spmem:s2] =	stream.indirect.scatter.add.f32 [tilespmem:s16], [sflag:$0x3], $0x80, s29, s19, $0xb8;
	[tilespmem:$0x1E400] =	vst v63  }
0x80: {  	_ =	swait.ge [sflag:s17], $0x4000  }
0x81: {  	[sflag:s17] =	ssyncset.done $0x0  }
0x82: {  	s30 =	simm.s32 $0x100;
	[sflag:s17] =	ssyncadd.s32 $0xFFFFC000  }
0x83: {  	[tilespmem:s16], [sflag:$0x1] =	stream.indirect.gather [hbm4b:s4+s19], $0x80, s30, s19, $0xb8;
	[tilespmem:$0x1E400] =	vst v63  }
0x84: {  	_ =	swait.ge [sflag:s22], $0x4000  }
0x85: {  	[sflag:s22] =	ssyncset.done $0x0  }
0x86: {  	s31 =	simm.s32 $0x1480;
	[sflag:s22] =	ssyncadd.s32 $0xFFFFC000  }
0x87: {  	[spmem:s2] =	stream.indirect.scatter.add.f32 [tilespmem:s20], [sflag:$0x3], $0x80, s31, s19, $0xb8;
	[tilespmem:$0x1E400] =	vst v63  }
0x88: {  	_ =	swait.ge [sflag:s17], $0x4000  }
0x89: {  	[sflag:s17] =	ssyncset.done $0x0  }
0x8a: {  	s26 =	simm.s32 $0x180;
	s25 =	simm.s32 $0x400;
	[sflag:s17] =	ssyncadd.s32 $0xFFFFC000  }
.LBB2_6:
0x8b: {  	[tilespmem:s20], [sflag:$0x2] =	stream.indirect.gather [hbm4b:s4+s19], $0x80, s26, s19, $0xb8;
	[tilespmem:$0x1E400] =	vst v63  }
0x8c: {  	s26 =	smov.u32 s25  }
0x8d: {  	p0 =	sne.s32 s25, $0x4800;
	s25 =	sadd.s32 $0x400, s25;
	_ =	swait.ge [sflag:s21], $0x4000  }
0x8e: {  	s26 =	sshra.s32 s26, $0x2;
	[sflag:s21] =	ssyncset.done $0x0  }
0x8f: {  	s28 =	sadd.s32 $0x1400, s26;
	[sflag:s21] =	ssyncadd.s32 $0xFFFFC000  }
0x90: {  	[spmem:s2] =	stream.indirect.scatter.add.f32 [tilespmem:s16], [sflag:$0x3], $0x80, s28, s19, $0xb8;
	[tilespmem:$0x1E400] =	vst v63  }
0x91: {  	_ =	swait.ge [sflag:s17], $0x4000  }
0x92: {  	[sflag:s17] =	ssyncset.done $0x0  }
0x93: {  	s28 =	sadd.s32 $0x100, s26;
	[sflag:s17] =	ssyncadd.s32 $0xFFFFC000  }
0x94: {  	[tilespmem:s16], [sflag:$0x1] =	stream.indirect.gather [hbm4b:s4+s19], $0x80, s28, s19, $0xb8;
	[tilespmem:$0x1E400] =	vst v63  }
0x95: {  	_ =	swait.ge [sflag:s22], $0x4000  }
0x96: {  	[sflag:s22] =	ssyncset.done $0x0  }
.Ltmp2:
0x97: {  	s28 =	sadd.s32 $0x1480, s26;
	[sflag:s22] =	ssyncadd.s32 $0xFFFFC000;
	(pc) =	sbr.rel @p0 .LBB2_6-.Ltmp2, $4  }
0x98: {  	[spmem:s2] =	stream.indirect.scatter.add.f32 [tilespmem:s20], [sflag:$0x3], $0x80, s28, s19, $0xb8;
	[tilespmem:$0x1E400] =	vst v63  }
0x99: {  	_ =	swait.ge [sflag:s17], $0x4000  }
0x9a: {  	[sflag:s17] =	ssyncset.done $0x0  }
0x9b: {  	s26 =	sadd.s32 $0x180, s26;
	[sflag:s17] =	ssyncadd.s32 $0xFFFFC000  }
0x9c: {  	[tilespmem:s20], [sflag:$0x2] =	stream.indirect.gather [hbm4b:s4+s19], $0x80, s26, s19, $0xb8;
	[tilespmem:$0x1E400] =	vst v63  }
0x9d: {  	_ =	swait.ge [sflag:s21], $0x4000  }
0x9e: {  	[sflag:s21] =	ssyncset.done $0x0  }
0x9f: {  	[sflag:s21] =	ssyncadd.s32 $0xFFFFC000  }
0xa0: {  	[spmem:s2] =	stream.indirect.scatter.add.f32 [tilespmem:s16], [sflag:$0x3], $0x80, s23, s19, $0xb8;
	[tilespmem:$0x1E400] =	vst v63  }
0xa1: {  	_ =	swait.ge [sflag:s17], $0x4000  }
0xa2: {  	[sflag:s17] =	ssyncset.done $0x0  }
0xa3: {  	[sflag:s17] =	ssyncadd.s32 $0xFFFFC000  }
0xa4: {  	_ =	swait.ge [sflag:s22], $0x4000  }
0xa5: {  	[sflag:s22] =	ssyncset.done $0x0  }
0xa6: {  	[sflag:s22] =	ssyncadd.s32 $0xFFFFC000  }
0xa7: {  	[spmem:s2] =	stream.indirect.scatter.add.f32 [tilespmem:s20], [sflag:$0x3], $0x80, s24, s19, $0xb8;
	[tilespmem:$0x1E400] =	vst v63  }
0xa8: {  	_ =	swait.ge [sflag:s17], $0x4000  }
0xa9: {  	s25 =	sshll.u32 s0, $0x6;
	s3 =	sadd.s32 $0x1, s3;
	[sflag:s17] =	ssyncset.done $0x0  }
0xaa: {  	s31 =	sshrl.u32 s5, $0x3;
	p0 =	sne.s32 s3, s15;
	[sflag:s17] =	ssyncadd.s32 $0xFFFFC000  }
.Ltmp3:
0xab: {  	s25 =	sor.u32 $0x1C03, s25;
	[bflag:$0x0] =	sbarrier.arrive $0xFFFF;
	(pc) =	sbr.rel @p0 .LBB2_1-.Ltmp3, $4  }
0xac: {  	[hbm:s14], [sflag:s25] =	dma.local [spmem:s31], $0x2780  }
0xad: {  	_ =	swait.ge [sflag:s17], $0x2780  }
0xae: {  	[sflag:s17] =	ssyncset.done $0x0  }
0xaf: {  	[sflag:s17] =	ssyncadd.s32 $0xFFFFD880  }
0xb0: {  	_ =	sfence.sel $0x180000  }
0xb1: {  	[bflag:$0x0] =	sbarrier.arrive $0xFFFF  }
0xb2: {  	p0 =	sne.s32 s0, $0x0;
	_ =	strace $0x9000004A  }
0xb3: {  	s0 =	sadd.s32 @!p0 $0x100000, s1;
	[bflag:$0x2] =	sbarrier.arrive $0xFFFF  }
0xb4: {  	[sflag:s0] =	ssyncadd.tile.s32 @!p0 $0x1;
	_ =	shalt  }
.Lfunc_end2:
_tile_overlayer_lowered:
.L_overlay_start_2:
0xb5: {  	(tag) =	ssettag $0x2  }
0xb6: {  	s0 =	rddreg [dreg:$0x0];
	s2 =	stileid.u32  }
0xb7: {  	s1 =	rddreg [dreg:$0x1];
	p0 =	sne.s32 s2, $0x0  }
0xb8: {  	s3 =	rddreg [dreg:$0x2];
	[bflag:$0x3] =	sbarrier.arrive $0xFFFF;
	s2 =	simm.s32 @!p0 $0x1C03  }
0xb9: {  	[timem:s3], [sflag:s2] =	dma.local @!p0 [hbm:s0], s1  }
0xba: {  	s0 =	simm.s32 @!p0 $0x3  }
0xbb: {  	_ =	swait.ge @!p0 [sflag:s0], s1  }
0xbc: {  	s1 =	ssub.s32 @!p0 $0x0, s1;
	[sflag:s0] =	ssyncset.done @!p0 $0x0  }
0xbd: {  	[sflag:s0] =	ssyncadd.s32 @!p0 s1  }
0xbe: {  	[bflag:$0x3] =	sbarrier.arrive $0xFFFF  }
0xbf: {  	_ =	shalt  }

// kernel: kernel.14.cloned.1.call-start
scs
__scs_entry_jumppad:
0x0: {  	(pc) =	sbr.rel $0x88, $3  }
0x1: {  	(tag) =	ssettag $0x0;
	lr =	simm.s32 $0x1  }
0x2: {  	[smem:$0x3F99] =	sst lr;
	_ =	strace $0xD0000000  }
0x3: {  	_ = 	snop  }
0x4: {  	_ = 	snop  }
0x5: {  	_ = 	snop  }
0x6: {  	_ = 	snop  }
0x7: {  	_ = 	snop  }
__scs_overlays_trampoline_lowered:
0x8: {  	[smem:$0x3FA8] =	sst s0  }
0x9: {  	[smem:$0x3FA9] =	sst s1  }
0xa: {  	[smem:$0x3FAA] =	sst s2  }
0xb: {  	[smem:$0x3FAB] =	sst s3  }
0xc: {  	[smem:$0x3FAC] =	sst s4  }
0xd: {  	[smem:$0x3FAD] =	sst s5  }
0xe: {  	[smem:$0x3FAE] =	sst s6  }
0xf: {  	[smem:$0x3FAF] =	sst s7  }
0x10: {  	[smem:$0x3FB0] =	sst s8  }
0x11: {  	[smem:$0x3FB1] =	sst s9;
	s0 =	simm.s32 @!p0 $0x0  }
0x12: {  	s1 =	sld [smem:$0x3F97];
	s0 =	simm.s32 @p0 $0x1  }
0x13: {  	[smem:$0x3FB2] =	sst s0;
	s0 =	simm.s32 @!p1 $0x0  }
0x14: {  	s2 =	sld [smem:$0x3F96];
	s0 =	simm.s32 @p1 $0x1  }
0x15: {  	[smem:$0x3FB3] =	sst s0;
	s0 =	simm.s32 @!p2 $0x0  }
0x16: {  	s3 =	sld [smem:$0x3FDB];
	s0 =	simm.s32 @p2 $0x1  }
0x17: {  	s4 =	simm.s32 $0x1BF5;
	[smem:$0x3FB5] =	sst s0  }
0x18: {  	s0 =	sld [smem:$0x3F98];
	_ =	swait.ge [sflag:s4], $0x0  }
0x19: {  	s7 =	sld [smem:$0x3F99]  }
0x1a: {  	s8 =	sadd.s32 $0xFFFFE003, lr  }
0x1b: {  	s9 =	sadd.s32 $0xFFFFFEF7, lr;
	s5 =	simm.s32 $0xFFFFFFFF;
	p2 =	slt.u32 s8, $0xFFFFF086  }
0x1c: {  	p1 =	slt.u32 s9, $0xF7A;
	s5 =	simm.s32 @!p2 $0x0  }
0x1d: {  	s5 =	simm.s32 @p1 $0x1;
	p0 =	seq.s32 s7, s2  }
0x1e: {  	s7 =	smul.u32 @!p0 $0xF7A, s2;
	p2 =	seq.s32 @!p0 s5, $0x0  }
0x1f: {  	s9 =	smul.u32 $0xF7A, s1;
	s8 =	simm.s32 @!p0 $0x1BF5;
	p2 =	por !p2, p0  }
0x20: {  	[sflag:s8] =	ssyncset.s32 @!p0 $0xFFFFF086;
	s6 =	sadd.s32 @!p0 s3, s7;
	s7 =	simm.s32 @!p0 $0x108  }
0x21: {  	s3 =	sadd.s32 s3, s9;
	s6 =	sadd.s32 @!p0 $0x88, s6;
	s7 =	simm.s32 @p2 $0x1082  }
0x22: {  	[simem:s7], [sflag:s8] =	dma.local @!p0 [hbm:s6], $0xF7A  }
0x23: {  	s9 =	sor.u32 $0xD0000000, s2;
	s6 =	simm.s32 $0x108;
	_ =	swait.ge @!p0 [sflag:s8], $0x0  }
0x24: {  	s3 =	sadd.s32 $0x88, s3;
	s6 =	simm.s32 @!p1 $0x1082;
	[sflag:s4] =	ssyncset.s32 $0xFFFFF086  }
0x25: {  	[simem:s6], [sflag:s4] =	dma.local [hbm:s3], $0xF7A  }
0x26: {  	[smem:$0x3F99] =	sst s1;
	(tag) =	ssettag s2;
	_ =	strace s9  }
0x27: {  	s1 =	sld [smem:$0x3FA9]  }
0x28: {  	s2 =	sld [smem:$0x3FAA]  }
0x29: {  	s4 =	sld [smem:$0x3FAC]  }
0x2a: {  	p0 =	seq.s32 s5, $0x0;
	s5 =	sld [smem:$0x3FAD]  }
0x2b: {  	s6 =	sld [smem:$0x3FAE]  }
0x2c: {  	s7 =	sld [smem:$0x3FAF]  }
0x2d: {  	s3 =	simm.s32 $0x108;
	s8 =	sld [smem:$0x3FB0]  }
0x2e: {  	s3 =	simm.s32 @!p0 $0x1082;
	s9 =	sld [smem:$0x3FB1]  }
0x2f: {  	lr =	sadd.s32 s0, s3;
	s0 =	sld [smem:$0x3FA8]  }
0x30: {  	s3 =	sld [smem:$0x3FAB]  }
0x31: {  	[smem:$0x3FB4] =	sst s10  }
0x32: {  	s10 =	sld [smem:$0x3FB2];
	_ =	sdelay $0x3  }
0x33: {  	p0 =	seq.s32 s10, $0x1;
	s10 =	sld [smem:$0x3FB4];
	_ =	sdelay $0x3  }
0x34: {  	[smem:$0x3FB4] =	sst s10  }
0x35: {  	s10 =	sld [smem:$0x3FB3];
	_ =	sdelay $0x3  }
0x36: {  	p1 =	seq.s32 s10, $0x1;
	s10 =	sld [smem:$0x3FB4];
	_ =	sdelay $0x3  }
0x37: {  	[smem:$0x3FB4] =	sst s10  }
0x38: {  	s10 =	sld [smem:$0x3FB5]  }
0x39: {  	_ = 	snop;
	(pc) =	sbr.ind lr, $3  }
0x3a: {  	_ = 	snop  }
0x3b: {  	_ = 	snop  }
0x3c: {  	p2 =	seq.s32 s10, $0x1;
	s10 =	sld [smem:$0x3FB4]  }
0x3d: {  	_ =	shalt  }
0x3e: {  	_ =	shalt  }
0x3f: {  	_ =	shalt  }
0x40: {  	_ =	shalt  }
0x41: {  	_ =	shalt  }
0x42: {  	_ =	shalt  }
0x43: {  	_ =	shalt  }
0x44: {  	_ =	shalt  }
0x45: {  	_ =	shalt  }
0x46: {  	_ =	shalt  }
0x47: {  	_ =	shalt  }
0x48: {  	_ =	shalt  }
0x49: {  	_ =	shalt  }
0x4a: {  	_ =	shalt  }
0x4b: {  	_ =	shalt  }
0x4c: {  	_ =	shalt  }
0x4d: {  	_ =	shalt  }
0x4e: {  	_ =	shalt  }
0x4f: {  	_ =	shalt  }
0x50: {  	_ =	shalt  }
0x51: {  	_ =	shalt  }
0x52: {  	_ =	shalt  }
0x53: {  	_ =	shalt  }
0x54: {  	_ =	shalt  }
0x55: {  	_ =	shalt  }
0x56: {  	_ =	shalt  }
0x57: {  	_ =	shalt  }
0x58: {  	_ =	shalt  }
0x59: {  	_ =	shalt  }
0x5a: {  	_ =	shalt  }
0x5b: {  	_ =	shalt  }
0x5c: {  	_ =	shalt  }
0x5d: {  	_ =	shalt  }
0x5e: {  	_ =	shalt  }
0x5f: {  	_ =	shalt  }
0x60: {  	_ =	shalt  }
0x61: {  	_ =	shalt  }
0x62: {  	_ =	shalt  }
0x63: {  	_ =	shalt  }
0x64: {  	_ =	shalt  }
0x65: {  	_ =	shalt  }
0x66: {  	_ =	shalt  }
0x67: {  	_ =	shalt  }
0x68: {  	_ =	shalt  }
0x69: {  	_ =	shalt  }
0x6a: {  	_ =	shalt  }
0x6b: {  	_ =	shalt  }
0x6c: {  	_ =	shalt  }
0x6d: {  	_ =	shalt  }
0x6e: {  	_ =	shalt  }
0x6f: {  	_ =	shalt  }
0x70: {  	_ =	shalt  }
0x71: {  	_ =	shalt  }
0x72: {  	_ =	shalt  }
0x73: {  	_ =	shalt  }
0x74: {  	_ =	shalt  }
0x75: {  	_ =	shalt  }
0x76: {  	_ =	shalt  }
0x77: {  	_ =	shalt  }
0x78: {  	_ =	shalt  }
0x79: {  	_ =	shalt  }
0x7a: {  	_ =	shalt  }
0x7b: {  	_ =	shalt  }
0x7c: {  	_ =	shalt  }
0x7d: {  	_ =	shalt  }
0x7e: {  	_ =	shalt  }
0x7f: {  	_ =	shalt  }
0x80: {  	_ =	shalt  }
0x81: {  	_ =	shalt  }
0x82: {  	_ =	shalt  }
0x83: {  	_ =	shalt  }
0x84: {  	_ =	shalt  }
0x85: {  	_ =	shalt  }
0x86: {  	_ =	shalt  }
0x87: {  	_ =	shalt  }
.Lfunc_end0:
.L_simem_size_0:
called_computation.2_lowered:
.L_overlay_start_0:
0x88: {  	s2 =	sld [smem:$0x3FD9]  }
0x89: {  	s3 =	sld [smem:$0x3FFE];
	_ =	sdelay $0x1  }
0x8a: {  	s1 =	srdreg.scid  }
0x8b: {  	s0 =	sand.u32 $0x1, s1  }
0x8c: {  	s16 =	sshll.u32 s0, $0xA;
	s2 =	sadd.s32 s3, s2  }
0x8d: {  	s2 =	sadd.s32 s2, s16  }
0x8e: {  	[smem:$0x3FC0] =	sst s2  }
0x8f: {  	_ = 	snop  }
0x90: {  	(tm) =	ssettm $0x1  }
0x91: {  	s17 =	sld [smem:$0x3FFB];
	_ =	sdelay $0x3  }
0x92: {  	_ =	strace s17  }
0x93: {  	s2 =	sld [smem:$0x3FFC];
	_ =	sdelay $0x3  }
0x94: {  	_ =	strace s2  }
0x95: {  	s2 =	sld [smem:$0x3FFD];
	_ =	sdelay $0x3  }
0x96: {  	_ =	strace s2  }
0x97: {  	_ =	strace $0x8FFFFFFF  }
0x98: {  	s18 =	sld [smem:$0x3FDB];
	_ =	sdelay $0x1  }
0x99: {  	s19 =	simm.s32 $_scs_section_size  }
0x9a: {  	s4 =	simm.s32 $_size__tile_overlayer_lowered;
	s5 =	simm.s32 $_tile_overlayer_lowered  }
0x9b: {  	s22 =	simm.s32 $0x1BFF;
	s21 =	sshll.u32 s5, $0x1;
	s2 =	sadd.s32 s19, s18  }
0x9c: {  	s6 =	simm.s32 $0x0;
	s20 =	sshll.u32 s4, $0x1;
	s4 =	sadd.s32 s21, s2  }
0x9d: {  	[timem:s6], [sflag:s22] =	dma.local [hbm:s4], s20  }
0x9e: {  	_ =	swait.ge [sflag:s22], s20  }
0x9f: {  	s3 =	ssub.s32 $0x0, s20;
	[sflag:s22] =	ssyncset.done $0x0  }
0xa0: {  	[sflag:s22] =	ssyncadd.s32 s3;
	_ =	sdelay $0x1  }
0xa1: {  	s23 =	simm.s32 $0x1B8B  }
0xa2: {  	_ =	swait.ge [sflag:s23], $0x1  }
0xa3: {  	[sflag:s23] =	ssyncset.done $0x0  }
0xa4: {  	s25 =	simm.s32 $0x1B8E;
	s24 =	sld [smem:$0x3FFE];
	[sflag:s23] =	ssyncadd.s32 $0xFFFFFFFF  }
0xa5: {  	s26 =	simm.s32 $execute0_lowered;
	[smem:$0x3FD2] =	sst s25  }
0xa6: {  	s4 =	sshll.u32 s26, $0x1;
	_ =	strace $0x8000004C;
	[dreg:$0x1] =	wrdreg $0xFFFFFFFF  }
0xa7: {  	s28 =	simm.s32 $_size_execute0_lowered;
	s2 =	sadd.s32 s2, s4;
	[dreg:$0x0] =	wrdreg $0x0  }
0xa8: {  	s4 =	sshll.u32 s28, $0x1;
	[dreg:$0x2] =	wrdreg s2  }
0xa9: {  	[dreg:$0x3] =	wrdreg s4  }
0xaa: {  	[dreg:$0x4] =	wrdreg $0xC0  }
0xab: {  	_ =	task [dreg:s6], $0x5FFFF  }
0xac: {  	[dreg:$0x1] =	wrdreg $0xFFFFFFFF  }
0xad: {  	[dreg:$0x0] =	wrdreg $0x60  }
0xae: {  	[dreg:$0x2] =	wrdreg s24  }
0xaf: {  	[dreg:$0x3] =	wrdreg $0xA8000  }
0xb0: {  	[dreg:$0x4] =	wrdreg $0x9  }
0xb1: {  	_ =	task.clear_ibuf [dreg:s6], $0x5FFFF;
	_ =	strace $0x9000004C  }
0xb2: {  	s29 =	simm.s32 $0x9;
	_ =	strace $0x8000004E  }
0xb3: {  	_ =	swait.ge [sflag:s29], $0x1  }
0xb4: {  	[sflag:s29] =	ssyncadd.s32 $0xFFFFFFFF  }
0xb5: {  	_ =	strace $0x9000004E  }
0xb6: {  	_ =	sfence  }
0xb7: {  	s30 =	sld [smem:$0x0];
	_ =	sdelay $0x2  }
0xb8: {  	s31 =	sshll.u32 s1, $0xD;
	s1 =	sshrl.u32 s1, $0x2  }
0xb9: {  	s3 =	sand.u32 $0x4000, s31;
	s1 =	sadd.s32 s1, s30  }
0xba: {  	s0 =	sor.u32 s3, s0;
	s1 =	sshll.u32 s1, $0x11  }
0xbb: {  	s0 =	sor.u32 s1, s0  }
0xbc: {  	s0 =	sadd.s32 $0x8F2B, s0  }
0xbd: {  	[sflag:s0] =	ssyncadd.remote.s32 $0x1  }
0xbe: {  	_ =	sfence.sel $0xFFFF  }
0xbf: {  	[dreg:$0x0] =	wrdreg $0xFFFFFFFF;
	(pc) =	sbr.abs _section_cstart, $3  }
0xc0: {  	[dreg:$0x1] =	wrdreg $0xFFFFFFFF  }
0xc1: {  	_ =	task.clear_ibuf [dreg:s6], $0x2FFFF;
	_ =	strace $0x9FFFFFFF  }
0xc2: {  	(tm) =	ssettm $0x7FFFFFFF  }
0xc3: {  	_ =	shalt  }
tec
execute0_lowered:
.L_overlay_start_1:
0x0: {  	(tag) =	ssettag $0x1  }
0x1: {  	s6 =	rddreg [dreg:$0x0]  }
0x2: {  	s0 =	srdreg.scid;
	s2 =	rddreg [dreg:$0x1]  }
0x3: {  	s3 =	simm.s32 $0x0;
	s16 =	simm.s32 $0x2800;
	s17 =	simm.s32 $0x3  }
0x4: {  	s18 =	simm.s32 $0x1400;
	s19 =	simm.s32 $0x80;
	s20 =	simm.s32 $0x6800  }
0x5: {  	s21 =	simm.s32 $0x1;
	s22 =	simm.s32 $0x2;
	s5 =	sand.u32 $0x1, s0  }
0x6: {  	s23 =	simm.s32 $0x2700;
	s0 =	stileid.u32;
	s7 =	smul.u32 $0x13C000, s5  }
0x7: {  	s24 =	simm.s32 $0x2780;
	s1 =	sshll.u32 s5, $0x4;
	s8 =	smul.u32 $0x13C00, s0  }
0x8: {  	s10 =	smul.u32 $0x4F000, s0;
	s29 =	ssub.s32 $0x2, s5;
	s1 =	sor.u32 s0, s1  }
0x9: {  	[smem:$0x7FF] =	sst s3;
	s31 =	sshrl.u32 s29, $0x1;
	s4 =	smul.u32 $0x2800, s1  }
0xa: {  	s1 =	rddreg [dreg:$0x2];
	_ =	strace $0x8000004D;
	s7 =	sadd.s32 s8, s7  }
0xb: {  	s30 =	sshrl.u32 s10, $0x2;
	s15 =	ssub.s32 s29, s31;
	s7 =	sshrl.u32 s7, $0x3  }
0xc: {  	s5 =	sadd.s32 s30, s2;
	s15 =	smax.u32 s15, $0x1;
	s9 =	sshrl.u32 s4, $0x3  }
0xd: {  	s4 =	sadd.s32 $0x16C00, s6;
	s14 =	sadd.s32 s7, s6;
	s7 =	sadd.s32 $0x8000, s5  }
0xe: {  	s8 =	sadd.s32 $0xC000, s5;
	s13 =	sadd.s32 s9, s6;
	s6 =	sadd.s32 $0x4000, s5  }
0xf: {  	s9 =	sadd.s32 $0x10000, s5;
	s14 =	sadd.s32 $0x3E400, s14;
	s10 =	sadd.s32 $0x2C00, s13  }
0x10: {  	v0 =	vimm.f32 $0.0e+00;
	s11 =	sadd.s32 $0xCC00, s13;
	s12 =	sadd.s32 $0x2E80, s13;
	s13 =	sadd.s32 $0xCE80, s13  }
.LBB2_1:
0x11: {  	s25 =	simm.s32 $0x0;
	s26 =	simm.s32 $0x200  }
.LBB2_2:
0x12: {  	p0 =	sne.s32 s26, $0xFE00;
	[tilespmem:s25+$0x2870] =	vst v0  }
0x13: {  	[tilespmem:s25+$0x2800] =	vst v0  }
0x14: {  	[tilespmem:s25+$0x2810] =	vst v0  }
.Ltmp0:
0x15: {  	[tilespmem:s25+$0x2820] =	vst v0;
	(pc) =	sbr.rel @p0 .LBB2_2-.Ltmp0, $4  }
0x16: {  	[tilespmem:s25+$0x2830] =	vst v0  }
0x17: {  	[tilespmem:s25+$0x2840] =	vst v0  }
0x18: {  	[tilespmem:s25+$0x2850] =	vst v0  }
0x19: {  	[tilespmem:s25+$0x2860] =	vst v0;
	s25 =	sshra.s32 s26, $0x2;
	s26 =	sadd.s32 $0x200, s26  }
0x1a: {  	[tilespmem:s25+$0x2870] =	vst v0  }
0x1b: {  	[tilespmem:s25+$0x2800] =	vst v0  }
0x1c: {  	[tilespmem:s25+$0x2810] =	vst v0  }
0x1d: {  	[tilespmem:s25+$0x2820] =	vst v0  }
0x1e: {  	[tilespmem:s25+$0x2830] =	vst v0  }
0x1f: {  	[tilespmem:s25+$0x2840] =	vst v0  }
0x20: {  	[tilespmem:s25+$0x2850] =	vst v0  }
0x21: {  	[tilespmem:s25+$0x2860] =	vst v0  }
0x22: {  	[spmem:s5] =	stream.linear.scatter [tilespmem:s16], [sflag:$0x3], $0x4000, $0x38;
	[tilespmem:$0x1E400] =	vst v63  }
0x23: {  	_ =	swait.ge [sflag:s17], $0x4000  }
0x24: {  	[sflag:s17] =	ssyncset.done $0x0  }
0x25: {  	[sflag:s17] =	ssyncadd.s32 $0xFFFFC000  }
0x26: {  	[spmem:s6] =	stream.linear.scatter [tilespmem:s16], [sflag:$0x3], $0x4000, $0x38;
	[tilespmem:$0x1E400] =	vst v63  }
0x27: {  	_ =	swait.ge [sflag:s17], $0x4000  }
0x28: {  	[sflag:s17] =	ssyncset.done $0x0  }
0x29: {  	[sflag:s17] =	ssyncadd.s32 $0xFFFFC000  }
0x2a: {  	[spmem:s7] =	stream.linear.scatter [tilespmem:s16], [sflag:$0x3], $0x4000, $0x38;
	[tilespmem:$0x1E400] =	vst v63  }
0x2b: {  	_ =	swait.ge [sflag:s17], $0x4000  }
0x2c: {  	[sflag:s17] =	ssyncset.done $0x0  }
0x2d: {  	[sflag:s17] =	ssyncadd.s32 $0xFFFFC000  }
0x2e: {  	[spmem:s8] =	stream.linear.scatter [tilespmem:s16], [sflag:$0x3], $0x4000, $0x38;
	[tilespmem:$0x1E400] =	vst v63  }
0x2f: {  	_ =	swait.ge [sflag:s17], $0x4000  }
0x30: {  	[sflag:s17] =	ssyncset.done $0x0  }
0x31: {  	[sflag:s17] =	ssyncadd.s32 $0xFFFFC000  }
0x32: {  	[spmem:s9] =	stream.linear.scatter [tilespmem:s16], [sflag:$0x3], $0x3C00, $0x38;
	[tilespmem:$0x1E400] =	vst v63  }
0x33: {  	_ =	swait.ge [sflag:s17], $0x3C00  }
0x34: {  	[sflag:s17] =	ssyncset.done $0x0  }
0x35: {  	[sflag:s17] =	ssyncadd.s32 $0xFFFFC400  }
0x36: {  	s28 =	simm.s32 $0x0;
	[bflag:$0x0] =	sbarrier.arrive $0xFFFF  }
0x37: {  	[tilespmem:s28], [sflag:$0x3] =	stream.linear.gather [hbm4b:s10+s28], $0x1400, $0x38;
	[tilespmem:$0x1E400] =	vst v63  }
0x38: {  	_ =	swait.ge [sflag:s17], $0x1400  }
0x39: {  	[sflag:s17] =	ssyncset.done $0x0  }
0x3a: {  	[sflag:s17] =	ssyncadd.s32 $0xFFFFEC00  }
0x3b: {  	[tilespmem:s18], [sflag:$0x3] =	stream.linear.gather [hbm4b:s11+s28], $0x1400, $0x38;
	[tilespmem:$0x1E400] =	vst v63  }
0x3c: {  	_ =	swait.ge [sflag:s17], $0x1400  }
0x3d: {  	[sflag:s17] =	ssyncset.done $0x0  }
0x3e: {  	[sflag:s17] =	ssyncadd.s32 $0xFFFFEC00  }
0x3f: {  	[tilespmem:s16], [sflag:$0x1] =	stream.indirect.gather [hbm4b:s4+s19], $0x80, s28, s19, $0xb8;
	[tilespmem:$0x1E400] =	vst v63  }
0x40: {  	_ = 	snop  }
0x41: {  	[tilespmem:s20], [sflag:$0x2] =	stream.indirect.gather [hbm4b:s4+s19], $0x80, s19, s19, $0xb8;
	[tilespmem:$0x1E400] =	vst v63  }
0x42: {  	_ =	swait.ge [sflag:s21], $0x4000  }
0x43: {  	[sflag:s21] =	ssyncset.done $0x0  }
0x44: {  	s29 =	simm.s32 $0x1400;
	[sflag:s21] =	ssyncadd.s32 $0xFFFFC000  }
0x45: {  	[spmem:s2] =	stream.indirect.scatter.add.f32 [tilespmem:s16], [sflag:$0x3], $0x80, s29, s19, $0xb8;
	[tilespmem:$0x1E400] =	vst v63  }
0x46: {  	_ =	swait.ge [sflag:s17], $0x4000  }
0x47: {  	[sflag:s17] =	ssyncset.done $0x0  }
0x48: {  	s30 =	simm.s32 $0x100;
	[sflag:s17] =	ssyncadd.s32 $0xFFFFC000  }
0x49: {  	[tilespmem:s16], [sflag:$0x1] =	stream.indirect.gather [hbm4b:s4+s19], $0x80, s30, s19, $0xb8;
	[tilespmem:$0x1E400] =	vst v63  }
0x4a: {  	_ =	swait.ge [sflag:s22], $0x4000  }
0x4b: {  	[sflag:s22] =	ssyncset.done $0x0  }
0x4c: {  	s31 =	simm.s32 $0x1480;
	[sflag:s22] =	ssyncadd.s32 $0xFFFFC000  }
0x4d: {  	[spmem:s2] =	stream.indirect.scatter.add.f32 [tilespmem:s20], [sflag:$0x3], $0x80, s31, s19, $0xb8;
	[tilespmem:$0x1E400] =	vst v63  }
0x4e: {  	_ =	swait.ge [sflag:s17], $0x4000  }
0x4f: {  	[sflag:s17] =	ssyncset.done $0x0  }
0x50: {  	s25 =	simm.s32 $0x400;
	s26 =	simm.s32 $0x180;
	[sflag:s17] =	ssyncadd.s32 $0xFFFFC000  }
.LBB2_4:
0x51: {  	[tilespmem:s20], [sflag:$0x2] =	stream.indirect.gather [hbm4b:s4+s19], $0x80, s26, s19, $0xb8;
	[tilespmem:$0x1E400] =	vst v63  }
0x52: {  	s26 =	smov.u32 s25  }
0x53: {  	p0 =	sne.s32 s25, $0x4800;
	s25 =	sadd.s32 $0x400, s25;
	_ =	swait.ge [sflag:s21], $0x4000  }
0x54: {  	s26 =	sshra.s32 s26, $0x2;
	[sflag:s21] =	ssyncset.done $0x0  }
0x55: {  	s28 =	sadd.s32 $0x1400, s26;
	[sflag:s21] =	ssyncadd.s32 $0xFFFFC000  }
0x56: {  	[spmem:s2] =	stream.indirect.scatter.add.f32 [tilespmem:s16], [sflag:$0x3], $0x80, s28, s19, $0xb8;
	[tilespmem:$0x1E400] =	vst v63  }
0x57: {  	_ =	swait.ge [sflag:s17], $0x4000  }
0x58: {  	[sflag:s17] =	ssyncset.done $0x0  }
0x59: {  	s28 =	sadd.s32 $0x100, s26;
	[sflag:s17] =	ssyncadd.s32 $0xFFFFC000  }
0x5a: {  	[tilespmem:s16], [sflag:$0x1] =	stream.indirect.gather [hbm4b:s4+s19], $0x80, s28, s19, $0xb8;
	[tilespmem:$0x1E400] =	vst v63  }
0x5b: {  	_ =	swait.ge [sflag:s22], $0x4000  }
0x5c: {  	[sflag:s22] =	ssyncset.done $0x0  }
.Ltmp1:
0x5d: {  	s28 =	sadd.s32 $0x1480, s26;
	[sflag:s22] =	ssyncadd.s32 $0xFFFFC000;
	(pc) =	sbr.rel @p0 .LBB2_4-.Ltmp1, $4  }
0x5e: {  	[spmem:s2] =	stream.indirect.scatter.add.f32 [tilespmem:s20], [sflag:$0x3], $0x80, s28, s19, $0xb8;
	[tilespmem:$0x1E400] =	vst v63  }
0x5f: {  	_ =	swait.ge [sflag:s17], $0x4000  }
0x60: {  	[sflag:s17] =	ssyncset.done $0x0  }
0x61: {  	s26 =	sadd.s32 $0x180, s26;
	[sflag:s17] =	ssyncadd.s32 $0xFFFFC000  }
0x62: {  	[tilespmem:s20], [sflag:$0x2] =	stream.indirect.gather [hbm4b:s4+s19], $0x80, s26, s19, $0xb8;
	[tilespmem:$0x1E400] =	vst v63  }
0x63: {  	_ =	swait.ge [sflag:s21], $0x4000  }
0x64: {  	[sflag:s21] =	ssyncset.done $0x0  }
0x65: {  	[sflag:s21] =	ssyncadd.s32 $0xFFFFC000  }
0x66: {  	[spmem:s2] =	stream.indirect.scatter.add.f32 [tilespmem:s16], [sflag:$0x3], $0x80, s23, s19, $0xb8;
	[tilespmem:$0x1E400] =	vst v63  }
0x67: {  	_ =	swait.ge [sflag:s17], $0x4000  }
0x68: {  	[sflag:s17] =	ssyncset.done $0x0  }
0x69: {  	[sflag:s17] =	ssyncadd.s32 $0xFFFFC000  }
0x6a: {  	_ =	swait.ge [sflag:s22], $0x4000  }
0x6b: {  	[sflag:s22] =	ssyncset.done $0x0  }
0x6c: {  	[sflag:s22] =	ssyncadd.s32 $0xFFFFC000  }
0x6d: {  	[spmem:s2] =	stream.indirect.scatter.add.f32 [tilespmem:s20], [sflag:$0x3], $0x80, s24, s19, $0xb8;
	[tilespmem:$0x1E400] =	vst v63  }
0x6e: {  	_ =	swait.ge [sflag:s17], $0x4000  }
0x6f: {  	[sflag:s17] =	ssyncset.done $0x0  }
0x70: {  	s25 =	simm.s32 $0x0;
	[sflag:s17] =	ssyncadd.s32 $0xFFFFC000  }
0x71: {  	[tilespmem:s25], [sflag:$0x3] =	stream.linear.gather [hbm4b:s12+s25], $0x1400, $0x38;
	[tilespmem:$0x1E400] =	vst v63  }
0x72: {  	_ =	swait.ge [sflag:s17], $0x1400  }
0x73: {  	[sflag:s17] =	ssyncset.done $0x0  }
0x74: {  	[sflag:s17] =	ssyncadd.s32 $0xFFFFEC00  }
0x75: {  	[tilespmem:s18], [sflag:$0x3] =	stream.linear.gather [hbm4b:s13+s25], $0x1400, $0x38;
	[tilespmem:$0x1E400] =	vst v63  }
0x76: {  	_ =	swait.ge [sflag:s17], $0x1400  }
0x77: {  	[sflag:s17] =	ssyncset.done $0x0  }
0x78: {  	[sflag:s17] =	ssyncadd.s32 $0xFFFFEC00  }
0x79: {  	[tilespmem:s16], [sflag:$0x1] =	stream.indirect.gather [hbm4b:s4+s19], $0x80, s25, s19, $0xb8;
	[tilespmem:$0x1E400] =	vst v63  }
0x7a: {  	_ = 	snop  }
0x7b: {  	[tilespmem:s20], [sflag:$0x2] =	stream.indirect.gather [hbm4b:s4+s19], $0x80, s19, s19, $0xb8;
	[tilespmem:$0x1E400] =	vst v63  }
0x7c: {  	_ =	swait.ge [sflag:s21], $0x4000  }
0x7d: {  	[sflag:s21] =	ssyncset.done $0x0  }
0x7e: {  	s29 =	simm.s32 $0x1400;
	[sflag:s21] =	ssyncadd.s32 $0xFFFFC000  }
0x7f: {  	[spmem:s2] =	stream.indirect.scatter.add.f32 [tilespmem:s16], [sflag:$0x3], $0x80, s29, s19, $0xb8;
	[tilespmem:$0x1E400] =	vst v63  }
0x80: {  	_ =	swait.ge [sflag:s17], $0x4000  }
0x81: {  	[sflag:s17] =	ssyncset.done $0x0  }
0x82: {  	s30 =	simm.s32 $0x100;
	[sflag:s17] =	ssyncadd.s32 $0xFFFFC000  }
0x83: {  	[tilespmem:s16], [sflag:$0x1] =	stream.indirect.gather [hbm4b:s4+s19], $0x80, s30, s19, $0xb8;
	[tilespmem:$0x1E400] =	vst v63  }
0x84: {  	_ =	swait.ge [sflag:s22], $0x4000  }
0x85: {  	[sflag:s22] =	ssyncset.done $0x0  }
0x86: {  	s31 =	simm.s32 $0x1480;
	[sflag:s22] =	ssyncadd.s32 $0xFFFFC000  }
0x87: {  	[spmem:s2] =	stream.indirect.scatter.add.f32 [tilespmem:s20], [sflag:$0x3], $0x80, s31, s19, $0xb8;
	[tilespmem:$0x1E400] =	vst v63  }
0x88: {  	_ =	swait.ge [sflag:s17], $0x4000  }
0x89: {  	[sflag:s17] =	ssyncset.done $0x0  }
0x8a: {  	s26 =	simm.s32 $0x180;
	s25 =	simm.s32 $0x400;
	[sflag:s17] =	ssyncadd.s32 $0xFFFFC000  }
.LBB2_6:
0x8b: {  	[tilespmem:s20], [sflag:$0x2] =	stream.indirect.gather [hbm4b:s4+s19], $0x80, s26, s19, $0xb8;
	[tilespmem:$0x1E400] =	vst v63  }
0x8c: {  	s26 =	smov.u32 s25  }
0x8d: {  	p0 =	sne.s32 s25, $0x4800;
	s25 =	sadd.s32 $0x400, s25;
	_ =	swait.ge [sflag:s21], $0x4000  }
0x8e: {  	s26 =	sshra.s32 s26, $0x2;
	[sflag:s21] =	ssyncset.done $0x0  }
0x8f: {  	s28 =	sadd.s32 $0x1400, s26;
	[sflag:s21] =	ssyncadd.s32 $0xFFFFC000  }
0x90: {  	[spmem:s2] =	stream.indirect.scatter.add.f32 [tilespmem:s16], [sflag:$0x3], $0x80, s28, s19, $0xb8;
	[tilespmem:$0x1E400] =	vst v63  }
0x91: {  	_ =	swait.ge [sflag:s17], $0x4000  }
0x92: {  	[sflag:s17] =	ssyncset.done $0x0  }
0x93: {  	s28 =	sadd.s32 $0x100, s26;
	[sflag:s17] =	ssyncadd.s32 $0xFFFFC000  }
0x94: {  	[tilespmem:s16], [sflag:$0x1] =	stream.indirect.gather [hbm4b:s4+s19], $0x80, s28, s19, $0xb8;
	[tilespmem:$0x1E400] =	vst v63  }
0x95: {  	_ =	swait.ge [sflag:s22], $0x4000  }
0x96: {  	[sflag:s22] =	ssyncset.done $0x0  }
.Ltmp2:
0x97: {  	s28 =	sadd.s32 $0x1480, s26;
	[sflag:s22] =	ssyncadd.s32 $0xFFFFC000;
	(pc) =	sbr.rel @p0 .LBB2_6-.Ltmp2, $4  }
0x98: {  	[spmem:s2] =	stream.indirect.scatter.add.f32 [tilespmem:s20], [sflag:$0x3], $0x80, s28, s19, $0xb8;
	[tilespmem:$0x1E400] =	vst v63  }
0x99: {  	_ =	swait.ge [sflag:s17], $0x4000  }
0x9a: {  	[sflag:s17] =	ssyncset.done $0x0  }
0x9b: {  	s26 =	sadd.s32 $0x180, s26;
	[sflag:s17] =	ssyncadd.s32 $0xFFFFC000  }
0x9c: {  	[tilespmem:s20], [sflag:$0x2] =	stream.indirect.gather [hbm4b:s4+s19], $0x80, s26, s19, $0xb8;
	[tilespmem:$0x1E400] =	vst v63  }
0x9d: {  	_ =	swait.ge [sflag:s21], $0x4000  }
0x9e: {  	[sflag:s21] =	ssyncset.done $0x0  }
0x9f: {  	[sflag:s21] =	ssyncadd.s32 $0xFFFFC000  }
0xa0: {  	[spmem:s2] =	stream.indirect.scatter.add.f32 [tilespmem:s16], [sflag:$0x3], $0x80, s23, s19, $0xb8;
	[tilespmem:$0x1E400] =	vst v63  }
0xa1: {  	_ =	swait.ge [sflag:s17], $0x4000  }
0xa2: {  	[sflag:s17] =	ssyncset.done $0x0  }
0xa3: {  	[sflag:s17] =	ssyncadd.s32 $0xFFFFC000  }
0xa4: {  	_ =	swait.ge [sflag:s22], $0x4000  }
0xa5: {  	[sflag:s22] =	ssyncset.done $0x0  }
0xa6: {  	[sflag:s22] =	ssyncadd.s32 $0xFFFFC000  }
0xa7: {  	[spmem:s2] =	stream.indirect.scatter.add.f32 [tilespmem:s20], [sflag:$0x3], $0x80, s24, s19, $0xb8;
	[tilespmem:$0x1E400] =	vst v63  }
0xa8: {  	_ =	swait.ge [sflag:s17], $0x4000  }
0xa9: {  	s25 =	sshll.u32 s0, $0x6;
	s3 =	sadd.s32 $0x1, s3;
	[sflag:s17] =	ssyncset.done $0x0  }
0xaa: {  	s31 =	sshrl.u32 s5, $0x3;
	p0 =	sne.s32 s3, s15;
	[sflag:s17] =	ssyncadd.s32 $0xFFFFC000  }
.Ltmp3:
0xab: {  	s25 =	sor.u32 $0x1C03, s25;
	[bflag:$0x0] =	sbarrier.arrive $0xFFFF;
	(pc) =	sbr.rel @p0 .LBB2_1-.Ltmp3, $4  }
0xac: {  	[hbm:s14], [sflag:s25] =	dma.local [spmem:s31], $0x2780  }
0xad: {  	_ =	swait.ge [sflag:s17], $0x2780  }
0xae: {  	[sflag:s17] =	ssyncset.done $0x0  }
0xaf: {  	[sflag:s17] =	ssyncadd.s32 $0xFFFFD880  }
0xb0: {  	_ =	sfence.sel $0x180000  }
0xb1: {  	[bflag:$0x0] =	sbarrier.arrive $0xFFFF  }
0xb2: {  	p0 =	sne.s32 s0, $0x0;
	_ =	strace $0x9000004D  }
0xb3: {  	s0 =	sadd.s32 @!p0 $0x100000, s1;
	[bflag:$0x2] =	sbarrier.arrive $0xFFFF  }
0xb4: {  	[sflag:s0] =	ssyncadd.tile.s32 @!p0 $0x1;
	_ =	shalt  }
.Lfunc_end2:
_tile_overlayer_lowered:
.L_overlay_start_2:
0xb5: {  	(tag) =	ssettag $0x2  }
0xb6: {  	s0 =	rddreg [dreg:$0x0];
	s2 =	stileid.u32  }
0xb7: {  	s1 =	rddreg [dreg:$0x1];
	p0 =	sne.s32 s2, $0x0  }
0xb8: {  	s3 =	rddreg [dreg:$0x2];
	[bflag:$0x3] =	sbarrier.arrive $0xFFFF;
	s2 =	simm.s32 @!p0 $0x1C03  }
0xb9: {  	[timem:s3], [sflag:s2] =	dma.local @!p0 [hbm:s0], s1  }
0xba: {  	s0 =	simm.s32 @!p0 $0x3  }
0xbb: {  	_ =	swait.ge @!p0 [sflag:s0], s1  }
0xbc: {  	s1 =	ssub.s32 @!p0 $0x0, s1;
	[sflag:s0] =	ssyncset.done @!p0 $0x0  }
0xbd: {  	[sflag:s0] =	ssyncadd.s32 @!p0 s1  }
0xbe: {  	[bflag:$0x3] =	sbarrier.arrive $0xFFFF  }
0xbf: {  	_ =	shalt  }

// kernel: kernel.8.cloned.1.call-start
scs
__scs_entry_jumppad:
0x0: {  	(pc) =	sbr.rel $0x88, $3  }
0x1: {  	(tag) =	ssettag $0x0;
	lr =	simm.s32 $0x1  }
0x2: {  	[smem:$0x3F99] =	sst lr;
	_ =	strace $0xD0000000  }
0x3: {  	_ = 	snop  }
0x4: {  	_ = 	snop  }
0x5: {  	_ = 	snop  }
0x6: {  	_ = 	snop  }
0x7: {  	_ = 	snop  }
__scs_overlays_trampoline_lowered:
0x8: {  	[smem:$0x3FA8] =	sst s0  }
0x9: {  	[smem:$0x3FA9] =	sst s1  }
0xa: {  	[smem:$0x3FAA] =	sst s2  }
0xb: {  	[smem:$0x3FAB] =	sst s3  }
0xc: {  	[smem:$0x3FAC] =	sst s4  }
0xd: {  	[smem:$0x3FAD] =	sst s5  }
0xe: {  	[smem:$0x3FAE] =	sst s6  }
0xf: {  	[smem:$0x3FAF] =	sst s7  }
0x10: {  	[smem:$0x3FB0] =	sst s8  }
0x11: {  	[smem:$0x3FB1] =	sst s9;
	s0 =	simm.s32 @!p0 $0x0  }
0x12: {  	s1 =	sld [smem:$0x3F97];
	s0 =	simm.s32 @p0 $0x1  }
0x13: {  	[smem:$0x3FB2] =	sst s0;
	s0 =	simm.s32 @!p1 $0x0  }
0x14: {  	s2 =	sld [smem:$0x3F96];
	s0 =	simm.s32 @p1 $0x1  }
0x15: {  	[smem:$0x3FB3] =	sst s0;
	s0 =	simm.s32 @!p2 $0x0  }
0x16: {  	s3 =	sld [smem:$0x3FDB];
	s0 =	simm.s32 @p2 $0x1  }
0x17: {  	s4 =	simm.s32 $0x1BF5;
	[smem:$0x3FB5] =	sst s0  }
0x18: {  	s0 =	sld [smem:$0x3F98];
	_ =	swait.ge [sflag:s4], $0x0  }
0x19: {  	s7 =	sld [smem:$0x3F99]  }
0x1a: {  	s8 =	sadd.s32 $0xFFFFE003, lr  }
0x1b: {  	s9 =	sadd.s32 $0xFFFFFEF7, lr;
	s5 =	simm.s32 $0xFFFFFFFF;
	p2 =	slt.u32 s8, $0xFFFFF086  }
0x1c: {  	p1 =	slt.u32 s9, $0xF7A;
	s5 =	simm.s32 @!p2 $0x0  }
0x1d: {  	s5 =	simm.s32 @p1 $0x1;
	p0 =	seq.s32 s7, s2  }
0x1e: {  	s7 =	smul.u32 @!p0 $0xF7A, s2;
	p2 =	seq.s32 @!p0 s5, $0x0  }
0x1f: {  	s9 =	smul.u32 $0xF7A, s1;
	s8 =	simm.s32 @!p0 $0x1BF5;
	p2 =	por !p2, p0  }
0x20: {  	[sflag:s8] =	ssyncset.s32 @!p0 $0xFFFFF086;
	s6 =	sadd.s32 @!p0 s3, s7;
	s7 =	simm.s32 @!p0 $0x108  }
0x21: {  	s3 =	sadd.s32 s3, s9;
	s6 =	sadd.s32 @!p0 $0x88, s6;
	s7 =	simm.s32 @p2 $0x1082  }
0x22: {  	[simem:s7], [sflag:s8] =	dma.local @!p0 [hbm:s6], $0xF7A  }
0x23: {  	s9 =	sor.u32 $0xD0000000, s2;
	s6 =	simm.s32 $0x108;
	_ =	swait.ge @!p0 [sflag:s8], $0x0  }
0x24: {  	s3 =	sadd.s32 $0x88, s3;
	s6 =	simm.s32 @!p1 $0x1082;
	[sflag:s4] =	ssyncset.s32 $0xFFFFF086  }
0x25: {  	[simem:s6], [sflag:s4] =	dma.local [hbm:s3], $0xF7A  }
0x26: {  	[smem:$0x3F99] =	sst s1;
	(tag) =	ssettag s2;
	_ =	strace s9  }
0x27: {  	s1 =	sld [smem:$0x3FA9]  }
0x28: {  	s2 =	sld [smem:$0x3FAA]  }
0x29: {  	s4 =	sld [smem:$0x3FAC]  }
0x2a: {  	p0 =	seq.s32 s5, $0x0;
	s5 =	sld [smem:$0x3FAD]  }
0x2b: {  	s6 =	sld [smem:$0x3FAE]  }
0x2c: {  	s7 =	sld [smem:$0x3FAF]  }
0x2d: {  	s3 =	simm.s32 $0x108;
	s8 =	sld [smem:$0x3FB0]  }
0x2e: {  	s3 =	simm.s32 @!p0 $0x1082;
	s9 =	sld [smem:$0x3FB1]  }
0x2f: {  	lr =	sadd.s32 s0, s3;
	s0 =	sld [smem:$0x3FA8]  }
0x30: {  	s3 =	sld [smem:$0x3FAB]  }
0x31: {  	[smem:$0x3FB4] =	sst s10  }
0x32: {  	s10 =	sld [smem:$0x3FB2];
	_ =	sdelay $0x3  }
0x33: {  	p0 =	seq.s32 s10, $0x1;
	s10 =	sld [smem:$0x3FB4];
	_ =	sdelay $0x3  }
0x34: {  	[smem:$0x3FB4] =	sst s10  }
0x35: {  	s10 =	sld [smem:$0x3FB3];
	_ =	sdelay $0x3  }
0x36: {  	p1 =	seq.s32 s10, $0x1;
	s10 =	sld [smem:$0x3FB4];
	_ =	sdelay $0x3  }
0x37: {  	[smem:$0x3FB4] =	sst s10  }
0x38: {  	s10 =	sld [smem:$0x3FB5]  }
0x39: {  	_ = 	snop;
	(pc) =	sbr.ind lr, $3  }
0x3a: {  	_ = 	snop  }
0x3b: {  	_ = 	snop  }
0x3c: {  	p2 =	seq.s32 s10, $0x1;
	s10 =	sld [smem:$0x3FB4]  }
0x3d: {  	_ =	shalt  }
0x3e: {  	_ =	shalt  }
0x3f: {  	_ =	shalt  }
0x40: {  	_ =	shalt  }
0x41: {  	_ =	shalt  }
0x42: {  	_ =	shalt  }
0x43: {  	_ =	shalt  }
0x44: {  	_ =	shalt  }
0x45: {  	_ =	shalt  }
0x46: {  	_ =	shalt  }
0x47: {  	_ =	shalt  }
0x48: {  	_ =	shalt  }
0x49: {  	_ =	shalt  }
0x4a: {  	_ =	shalt  }
0x4b: {  	_ =	shalt  }
0x4c: {  	_ =	shalt  }
0x4d: {  	_ =	shalt  }
0x4e: {  	_ =	shalt  }
0x4f: {  	_ =	shalt  }
0x50: {  	_ =	shalt  }
0x51: {  	_ =	shalt  }
0x52: {  	_ =	shalt  }
0x53: {  	_ =	shalt  }
0x54: {  	_ =	shalt  }
0x55: {  	_ =	shalt  }
0x56: {  	_ =	shalt  }
0x57: {  	_ =	shalt  }
0x58: {  	_ =	shalt  }
0x59: {  	_ =	shalt  }
0x5a: {  	_ =	shalt  }
0x5b: {  	_ =	shalt  }
0x5c: {  	_ =	shalt  }
0x5d: {  	_ =	shalt  }
0x5e: {  	_ =	shalt  }
0x5f: {  	_ =	shalt  }
0x60: {  	_ =	shalt  }
0x61: {  	_ =	shalt  }
0x62: {  	_ =	shalt  }
0x63: {  	_ =	shalt  }
0x64: {  	_ =	shalt  }
0x65: {  	_ =	shalt  }
0x66: {  	_ =	shalt  }
0x67: {  	_ =	shalt  }
0x68: {  	_ =	shalt  }
0x69: {  	_ =	shalt  }
0x6a: {  	_ =	shalt  }
0x6b: {  	_ =	shalt  }
0x6c: {  	_ =	shalt  }
0x6d: {  	_ =	shalt  }
0x6e: {  	_ =	shalt  }
0x6f: {  	_ =	shalt  }
0x70: {  	_ =	shalt  }
0x71: {  	_ =	shalt  }
0x72: {  	_ =	shalt  }
0x73: {  	_ =	shalt  }
0x74: {  	_ =	shalt  }
0x75: {  	_ =	shalt  }
0x76: {  	_ =	shalt  }
0x77: {  	_ =	shalt  }
0x78: {  	_ =	shalt  }
0x79: {  	_ =	shalt  }
0x7a: {  	_ =	shalt  }
0x7b: {  	_ =	shalt  }
0x7c: {  	_ =	shalt  }
0x7d: {  	_ =	shalt  }
0x7e: {  	_ =	shalt  }
0x7f: {  	_ =	shalt  }
0x80: {  	_ =	shalt  }
0x81: {  	_ =	shalt  }
0x82: {  	_ =	shalt  }
0x83: {  	_ =	shalt  }
0x84: {  	_ =	shalt  }
0x85: {  	_ =	shalt  }
0x86: {  	_ =	shalt  }
0x87: {  	_ =	shalt  }
.Lfunc_end0:
.L_simem_size_0:
called_computation_lowered:
.L_overlay_start_0:
0x88: {  	s2 =	sld [smem:$0x3FD9]  }
0x89: {  	s3 =	sld [smem:$0x3FFE];
	_ =	sdelay $0x1  }
0x8a: {  	s1 =	srdreg.scid  }
0x8b: {  	s0 =	sand.u32 $0x1, s1  }
0x8c: {  	s16 =	sshll.u32 s0, $0xA;
	s2 =	sadd.s32 s3, s2  }
0x8d: {  	s2 =	sadd.s32 s2, s16  }
0x8e: {  	[smem:$0x3FC0] =	sst s2  }
0x8f: {  	_ = 	snop  }
0x90: {  	(tm) =	ssettm $0x1  }
0x91: {  	s17 =	sld [smem:$0x3FFB];
	_ =	sdelay $0x3  }
0x92: {  	_ =	strace s17  }
0x93: {  	s2 =	sld [smem:$0x3FFC];
	_ =	sdelay $0x3  }
0x94: {  	_ =	strace s2  }
0x95: {  	s2 =	sld [smem:$0x3FFD];
	_ =	sdelay $0x3  }
0x96: {  	_ =	strace s2  }
0x97: {  	_ =	strace $0x8FFFFFFF  }
0x98: {  	s18 =	sld [smem:$0x3FDB];
	_ =	sdelay $0x1  }
0x99: {  	s19 =	simm.s32 $_scs_section_size  }
0x9a: {  	s4 =	simm.s32 $_size__tile_overlayer_lowered;
	s5 =	simm.s32 $_tile_overlayer_lowered  }
0x9b: {  	s22 =	simm.s32 $0x1BFF;
	s21 =	sshll.u32 s5, $0x1;
	s2 =	sadd.s32 s19, s18  }
0x9c: {  	s6 =	simm.s32 $0x0;
	s20 =	sshll.u32 s4, $0x1;
	s4 =	sadd.s32 s21, s2  }
0x9d: {  	[timem:s6], [sflag:s22] =	dma.local [hbm:s4], s20  }
0x9e: {  	_ =	swait.ge [sflag:s22], s20  }
0x9f: {  	s3 =	ssub.s32 $0x0, s20;
	[sflag:s22] =	ssyncset.done $0x0  }
0xa0: {  	[sflag:s22] =	ssyncadd.s32 s3;
	_ =	sdelay $0x1  }
0xa1: {  	s23 =	simm.s32 $0x1B8B  }
0xa2: {  	_ =	swait.ge [sflag:s23], $0x1  }
0xa3: {  	[sflag:s23] =	ssyncset.done $0x0  }
0xa4: {  	s25 =	simm.s32 $0x1B8E;
	s24 =	sld [smem:$0x3FFE];
	[sflag:s23] =	ssyncadd.s32 $0xFFFFFFFF  }
0xa5: {  	s26 =	simm.s32 $execute0_lowered;
	[smem:$0x3FD2] =	sst s25  }
0xa6: {  	s4 =	sshll.u32 s26, $0x1;
	_ =	strace $0x80000046;
	[dreg:$0x1] =	wrdreg $0xFFFFFFFF  }
0xa7: {  	s28 =	simm.s32 $_size_execute0_lowered;
	s2 =	sadd.s32 s2, s4;
	[dreg:$0x0] =	wrdreg $0x0  }
0xa8: {  	s4 =	sshll.u32 s28, $0x1;
	[dreg:$0x2] =	wrdreg s2  }
0xa9: {  	[dreg:$0x3] =	wrdreg s4  }
0xaa: {  	[dreg:$0x4] =	wrdreg $0xC0  }
0xab: {  	_ =	task [dreg:s6], $0x5FFFF  }
0xac: {  	[dreg:$0x1] =	wrdreg $0xFFFFFFFF  }
0xad: {  	[dreg:$0x0] =	wrdreg $0x60  }
0xae: {  	[dreg:$0x2] =	wrdreg s24  }
0xaf: {  	[dreg:$0x3] =	wrdreg $0x9  }
0xb0: {  	_ =	task.clear_ibuf [dreg:s6], $0x4FFFF;
	_ =	strace $0x90000046  }
0xb1: {  	s29 =	simm.s32 $0x9;
	_ =	strace $0x80000048  }
0xb2: {  	_ =	swait.ge [sflag:s29], $0x1  }
0xb3: {  	[sflag:s29] =	ssyncadd.s32 $0xFFFFFFFF  }
0xb4: {  	_ =	strace $0x90000048  }
0xb5: {  	_ =	sfence  }
0xb6: {  	s30 =	sld [smem:$0x0];
	_ =	sdelay $0x2  }
0xb7: {  	s31 =	sshll.u32 s1, $0xD;
	s1 =	sshrl.u32 s1, $0x2  }
0xb8: {  	s3 =	sand.u32 $0x4000, s31;
	s1 =	sadd.s32 s1, s30  }
0xb9: {  	s0 =	sor.u32 s3, s0;
	s1 =	sshll.u32 s1, $0x11  }
0xba: {  	s0 =	sor.u32 s1, s0  }
0xbb: {  	s0 =	sadd.s32 $0x8F2B, s0  }
0xbc: {  	[sflag:s0] =	ssyncadd.remote.s32 $0x1  }
0xbd: {  	_ =	sfence.sel $0xFFFF  }
0xbe: {  	[dreg:$0x0] =	wrdreg $0xFFFFFFFF;
	(pc) =	sbr.abs _section_cstart, $3  }
0xbf: {  	[dreg:$0x1] =	wrdreg $0xFFFFFFFF  }
0xc0: {  	_ =	task.clear_ibuf [dreg:s6], $0x2FFFF;
	_ =	strace $0x9FFFFFFF  }
0xc1: {  	(tm) =	ssettm $0x7FFFFFFF  }
tec
execute0_lowered:
.L_overlay_start_1:
0x0: {  	(tag) =	ssettag $0x1  }
0x1: {  	s0 =	srdreg.scid;
	s5 =	rddreg [dreg:$0x0]  }
0x2: {  	s1 =	rddreg [dreg:$0x1];
	s3 =	sand.u32 $0x1, s0  }
0x3: {  	s0 =	stileid.u32;
	s4 =	smul.u32 $0x50000, s3  }
0x4: {  	s10 =	simm.s32 $0x0;
	s6 =	smul.u32 $0x27800, s3;
	s2 =	sshrl.u32 s0, $0x3  }
0x5: {  	s8 =	smul.u32 $0x5000, s0;
	s9 =	sshll.u32 s0, $0x7;
	s3 =	ssub.s32 $0x2, s3  }
0x6: {  	s7 =	smul.u32 $0x13C00, s2;
	s2 =	simm.s32 $0x0;
	s30 =	sand.u32 $0x380, s9  }
0x7: {  	s31 =	sshrl.u32 s3, $0x1;
	s9 =	simm.s32 $0x400;
	[smem:$0x7FF] =	sst s2  }
0x8: {  	s4 =	sadd.s32 s8, s4;
	s8 =	simm.s32 $0x80;
	s6 =	sadd.s32 s6, s7  }
0x9: {  	_ =	strace $0x80000047;
	s4 =	sshrl.u32 s4, $0x3;
	s6 =	sor.u32 s30, s6  }
0xa: {  	s7 =	simm.s32 $0x5000;
	s4 =	sadd.s32 s4, s5;
	s6 =	sshrl.u32 s6, $0x3  }
0xb: {  	s5 =	sadd.s32 s6, s5;
	s6 =	ssub.s32 s3, s31;
	s3 =	sadd.s32 $0x2C00, s4  }
0xc: {  	v0 =	vimm.f32 $0.0e+00;
	v1 =	vimm.f32 $1.000000000e+00;
	s4 =	sadd.s32 $0x16C00, s5;
	s5 =	smax.u32 s6, $0x1;
	s6 =	simm.s32 $0x1  }
.LBB2_1:
0xd: {  	[tilespmem:s2], [sflag:$0x1] =	stream.linear.gather [hbm4b:s3+s2], $0x5000, $0x38;
	[tilespmem:$0x7780] =	vst v63  }
0xe: {  	_ =	swait.ge [sflag:s6], $0x5000  }
0xf: {  	[sflag:s6] =	ssyncset.done $0x0  }
0x10: {  	s11 =	simm.s32 $0x0;
	[sflag:s6] =	ssyncadd.s32 $0xFFFFB000  }
.LBB2_2:
0x11: {  	p0 =	sne.s32 s11, $0x9DC0  }
.Ltmp0:
0x12: {  	_ = 	snop;
	(pc) =	sbr.rel @p0 .LBB2_2-.Ltmp0, $3  }
0x13: {  	_ =	sdelay $0x1  }
0x14: {  	s12 =	sshra.s32 s11, $0x2  }
0x15: {  	s11 =	sadd.s32 $0x40, s11;
	[tilespmem:s12+$0x5000] =	vst v0  }
0x16: {  	s11 =	simm.s32 $0x0  }
.LBB2_4:
0x17: {  	s12 =	sshra.s32 s11, $0x2  }
0x18: {  	v2 =	vld [tilespmem:s12+$0x0];
	_ =	sdelay $0x7  }
0x19: {  	[tilespmem:v2+s7+$0x0] =	vst.idx.add.f32.msk $0xffff, v1  }
0x1a: {  	v2 =	vld [tilespmem:s12+$0x10];
	_ =	sdelay $0x7  }
0x1b: {  	[tilespmem:v2+s7+$0x0] =	vst.idx.add.f32.msk $0xffff, v1  }
0x1c: {  	v2 =	vld [tilespmem:s12+$0x20];
	_ =	sdelay $0x7  }
0x1d: {  	[tilespmem:v2+s7+$0x0] =	vst.idx.add.f32.msk $0xffff, v1  }
0x1e: {  	v2 =	vld [tilespmem:s12+$0x30];
	_ =	sdelay $0x7  }
0x1f: {  	[tilespmem:v2+s7+$0x0] =	vst.idx.add.f32.msk $0xffff, v1  }
0x20: {  	v2 =	vld [tilespmem:s12+$0x40];
	_ =	sdelay $0x7  }
0x21: {  	[tilespmem:v2+s7+$0x0] =	vst.idx.add.f32.msk $0xffff, v1  }
0x22: {  	v2 =	vld [tilespmem:s12+$0x50];
	_ =	sdelay $0x7  }
0x23: {  	[tilespmem:v2+s7+$0x0] =	vst.idx.add.f32.msk $0xffff, v1  }
0x24: {  	v2 =	vld [tilespmem:s12+$0x60];
	_ =	sdelay $0x7  }
0x25: {  	[tilespmem:v2+s7+$0x0] =	vst.idx.add.f32.msk $0xffff, v1  }
0x26: {  	v2 =	vld [tilespmem:s12+$0x70];
	_ =	sdelay $0x2  }
0x27: {  	p0 =	sne.s32 s11, $0x13E00  }
.Ltmp1:
0x28: {  	_ = 	snop;
	(pc) =	sbr.rel @p0 .LBB2_4-.Ltmp1, $2  }
0x29: {  	_ =	sdelay $0x2  }
0x2a: {  	s11 =	sadd.s32 $0x200, s11;
	[tilespmem:v2+s7+$0x0] =	vst.idx.add.f32.msk $0xffff, v1  }
0x2b: {  	s10 =	sadd.s32 $0x1, s10  }
0x2c: {  	p0 =	sne.s32 s10, s5  }
.Ltmp2:
0x2d: {  	_ = 	snop;
	(pc) =	sbr.rel @p0 .LBB2_1-.Ltmp2, $4  }
0x2e: {  	[hbm4b:s4+s8] =	stream.strided.scatter [tilespmem:s7], [sflag:$0x1], $0x2780, s9, s8, $0x38;
	[tilespmem:$0x7780] =	vst v63  }
0x2f: {  	_ =	swait.ge [sflag:s6], $0x2780  }
0x30: {  	[sflag:s6] =	ssyncset.done $0x0  }
0x31: {  	[sflag:s6] =	ssyncadd.s32 $0xFFFFD880  }
0x32: {  	_ =	sfence.sel $0x180000  }
0x33: {  	[bflag:$0x0] =	sbarrier.arrive $0xFFFF  }
0x34: {  	p0 =	sne.s32 s0, $0x0;
	_ =	strace $0x90000047  }
0x35: {  	s0 =	sadd.s32 @!p0 $0x100000, s1;
	[bflag:$0x2] =	sbarrier.arrive $0xFFFF  }
0x36: {  	[sflag:s0] =	ssyncadd.tile.s32 @!p0 $0x1;
	_ =	shalt  }
.Lfunc_end2:
_tile_overlayer_lowered:
.L_overlay_start_2:
0x37: {  	(tag) =	ssettag $0x2  }
0x38: {  	s0 =	rddreg [dreg:$0x0];
	s2 =	stileid.u32  }
0x39: {  	s1 =	rddreg [dreg:$0x1];
	p0 =	sne.s32 s2, $0x0  }
0x3a: {  	s3 =	rddreg [dreg:$0x2];
	[bflag:$0x3] =	sbarrier.arrive $0xFFFF;
	s2 =	simm.s32 @!p0 $0x1C01  }
0x3b: {  	[timem:s3], [sflag:s2] =	dma.local @!p0 [hbm:s0], s1  }
0x3c: {  	s0 =	simm.s32 @!p0 $0x1  }
0x3d: {  	_ =	swait.ge @!p0 [sflag:s0], s1  }
0x3e: {  	s1 =	ssub.s32 @!p0 $0x0, s1;
	[sflag:s0] =	ssyncset.done @!p0 $0x0  }
0x3f: {  	[sflag:s0] =	ssyncadd.s32 @!p0 s1  }
0x40: {  	[bflag:$0x3] =	sbarrier.arrive $0xFFFF  }
0x41: {  	_ =	shalt  }

</sc_bundles>
